<compile_context>
chip_gen: v7x
topology: tpu7x:2x2x1
jax: 0.10.2.dev20260603
libtpu: 0.0.44.dev20260713+nightly
codegen_flags: <defaults>
</compile_context>

<pallas_src>
import jax
import jax.numpy as jnp
from jax import lax
from jax.experimental import pallas as pl
from jax.experimental.pallas import tpu as pltpu
from jax.experimental.pallas import tpu_sc as plsc

B, S, D = 4, 4096, 2048
NC, NS, L = 2, 16, 16
NW = NC * NS
CHUNK = (B * S) // NW
CPR = S // CHUNK
C = 16
G = 16


def _wid():
    return lax.axis_index("s") * NC + lax.axis_index("c")


def _body(ids_hbm, w_hbm, out_hbm, row_v, cache_v, sem):
    wid = _wid()
    r = wid // CPR
    k = wid % CPR
    base = k * CHUNK

    pltpu.sync_copy(ids_hbm.at[r], row_v)
    pltpu.sync_copy(w_hbm.at[pl.ds(0, C)], cache_v)

    lane = lax.iota(jnp.int32, 16)

    def prefix_step(j, carry):
        ids = row_v[pl.ds(j * L, L)]
        nd = jnp.where(ids < 10, jnp.int32(-1), lane + j * L)
        return jnp.maximum(carry, jnp.max(nd))

    carry0 = lax.fori_loop(0, base // L, prefix_step, jnp.int32(-1))

    out_base = wid * CHUNK

    def grp_step(g, ln):
        v = row_v[pl.ds(base + g * L, L)]
        for t in range(L):
            i = base + g * L + t
            digit = v[t] < 10
            ln = jnp.where(digit, ln, i)
            pos = i - ln

            @pl.when(pos < C)
            def _(pos=pos, i=i):
                pltpu.async_copy(
                    cache_v.at[pos], out_hbm.at[out_base - base + i], sem
                )

            @pl.when(pos >= C)
            def _(pos=pos, i=i):
                pltpu.async_copy(
                    w_hbm.at[pos], out_hbm.at[out_base - base + i], sem
                )

        return ln

    lax.fori_loop(0, CHUNK // L, grp_step, carry0)

    def drain_step(j, c):
        pltpu.make_async_copy(w_hbm.at[pl.ds(0, G)], cache_v, sem).wait()
        return c

    lax.fori_loop(0, CHUNK // G, drain_step, 0)


@jax.jit
def _run(input_ids, w):
    mesh = plsc.VectorSubcoreMesh(
        core_axis_name="c", subcore_axis_name="s", num_cores=NC, num_subcores=NS
    )
    f = pl.kernel(
        _body,
        out_type=jax.ShapeDtypeStruct((B * S, D), jnp.float32),
        mesh=mesh,
        scratch_types=[
            pltpu.VMEM((S,), jnp.int32),
            pltpu.VMEM((C, D), jnp.float32),
            pltpu.SemaphoreType.DMA,
        ],
        compiler_params=pltpu.CompilerParams(needs_layout_passes=False),
    )
    return f(input_ids, w).reshape(B, S, D)


def kernel(input_ids, W):
    return _run(input_ids, W)

# --- scband reference (transcript-rebuilt; emitter-appended) ---
"""Pipeline reference for scband-abacus-encoding-41506563948572 (READ-ONLY COPY).

The authoritative reference and input builder live on the scoring server;
editing this copy changes nothing except your own understanding.
"""

import jax, jax.numpy as jnp
import numpy as np


def setup_inputs(seed: int = 0) -> dict:
    key = jax.random.key(seed)
    k1, k2 = jax.random.split(key)
    # token ids in [0, 50); ids 0..9 count as digits (~20% density -> realistic digit spans)
    input_ids = jax.random.randint(k1, (4, 4096), 0, 50, dtype=jnp.int32)
    # learned embedding table: (max_seq_length=8192, embedding_dim=2048)
    W = jax.random.normal(k2, (8192, 2048), dtype=jnp.float32) * 0.02
    return {"input_ids": input_ids, "W": W}


def _abacus_positions(input_ids):
    # mask of digit locations (digit tokens are ids 0..9)
    digits = jnp.arange(10, dtype=input_ids.dtype)
    mask = jnp.isin(input_ids, digits)
    B, S = input_ids.shape
    # shift mask right by one to detect span starts
    shifted_mask = jnp.concatenate(
        [jnp.zeros((B, 1), dtype=mask.dtype), mask[:, :-1]], axis=1
    )
    starts = (shifted_mask != mask) & mask
    segment_ids = jnp.cumsum(starts.astype(jnp.int32), axis=1)
    index = jnp.broadcast_to(jnp.arange(S, dtype=jnp.int32), (B, S))
    second_term = index * starts.astype(jnp.int32)
    rows = jnp.broadcast_to(jnp.arange(B, dtype=jnp.int32)[:, None], (B, S))
    # scatter-add along dim=1: reset_index.scatter_add(1, segment_ids, second_term)
    reset_index = jnp.zeros((B, S), dtype=jnp.int32).at[rows, segment_ids].add(second_term)
    # gather along dim=1: reset_index.gather(1, segment_ids)
    gathered = jnp.take_along_axis(reset_index, segment_ids, axis=1)
    positions = index - gathered + 1
    result = positions * mask.astype(jnp.int32)
    return result


def reference(input_ids, W):
    # eval mode: k = 0 (no random shift)
    positions = _abacus_positions(input_ids)
    # embedding lookup
    out = jnp.take(W, positions, axis=0)
    return out

if __name__ == "__main__":
    import jax
    _d = setup_inputs()
    print(jax.jit(kernel)(*tuple(_d.values())))

</pallas_src>

<mosaic_0001>
#map = affine_map<(d0, d1) -> (0, 0)>
module attributes {stable_mosaic.version = 14 : i64} {
  func.func @_body(%arg0: i32, %arg1: i32, %arg2: memref<4x4096xi32, #tpu.memory_space<hbm>>, %arg3: memref<8192x2048xf32, #tpu.memory_space<hbm>>, %arg4: memref<16384x2048xf32, #tpu.memory_space<hbm>>, %arg5: memref<4096xi32, #tpu.memory_space<vmem>>, %arg6: memref<16x2048xf32, #tpu.memory_space<vmem>>, %arg7: memref<!tpu.dma_semaphore, #tpu.memory_space<semaphore_mem>>) attributes {dimension_semantics = [#tpu.dimension_semantics<core_parallel>, #tpu.dimension_semantics<subcore_parallel>], iteration_bounds = array<i64: 2, 16>, scalar_prefetch = 0 : i64, scratch_operands = 3 : i64, tpu.core_type = #tpu.core_type<sc_vector_subcore>, window_params = [{transform_indices = #map}, {transform_indices = #map}, {transform_indices = #map}]} {
    %mul3A = arith.constant 2 : i32
    %mul3A_0 = arith.muli %arg1, %mul3A : i32
    %add3A = arith.addi %mul3A_0, %arg0 : i32
    %jit3A = arith.constant 8 : i32
    %div3A = arith.divsi %add3A, %jit3A : i32
    %sign3A = arith.constant 0 : i32
    %sign3A_1 = arith.cmpi sgt, %add3A, %sign3A : i32
    %sign3A_2 = arith.extui %sign3A_1 : i1 to i32
    %sign3A_3 = arith.constant 0 : i32
    %sign3A_4 = arith.cmpi slt, %add3A, %sign3A_3 : i32
    %sign3A_5 = arith.extui %sign3A_4 : i1 to i32
    %sign3A_6 = arith.subi %sign3A_2, %sign3A_5 : i32
    %sign3A_7 = arith.constant 0 : i32
    %sign3A_8 = arith.cmpi sgt, %jit3A, %sign3A_7 : i32
    %sign3A_9 = arith.extui %sign3A_8 : i1 to i32
    %sign3A_10 = arith.constant 0 : i32
    %sign3A_11 = arith.cmpi slt, %jit3A, %sign3A_10 : i32
    %sign3A_12 = arith.extui %sign3A_11 : i1 to i32
    %sign3A_13 = arith.subi %sign3A_9, %sign3A_12 : i32
    %ne3A = arith.cmpi ne, %sign3A_6, %sign3A_13 : i32
    %rem3A = arith.remsi %add3A, %jit3A : i32
    %ne3A_14 = arith.constant 0 : i32
    %ne3A_15 = arith.cmpi ne, %rem3A, %ne3A_14 : i32
    %and3A = arith.andi %ne3A, %ne3A_15 : i1
    %sub3A = arith.constant 1 : i32
    %sub3A_16 = arith.subi %div3A, %sub3A : i32
    %select_n3A = arith.select %and3A, %sub3A_16, %div3A : i32
    %jit3A_17 = arith.constant 8 : i32
    %eq3A = arith.constant 0 : i32
    %eq3A_18 = arith.cmpi eq, %jit3A_17, %eq3A : i32
    %jit3A_19 = arith.constant 1 : i32
    %select_n3A_20 = arith.select %eq3A_18, %jit3A_19, %jit3A_17 : i32
    %rem3A_21 = arith.remsi %add3A, %select_n3A_20 : i32
    %ne3A_22 = arith.constant 0 : i32
    %ne3A_23 = arith.cmpi ne, %rem3A_21, %ne3A_22 : i32
    %lt3A = arith.constant 0 : i32
    %lt3A_24 = arith.cmpi slt, %rem3A_21, %lt3A : i32
    %lt3A_25 = arith.constant 0 : i32
    %lt3A_26 = arith.cmpi slt, %select_n3A_20, %lt3A_25 : i32
    %ne3A_27 = arith.xori %lt3A_24, %lt3A_26 : i1
    %and3A_28 = arith.andi %ne3A_27, %ne3A_23 : i1
    %add3A_29 = arith.addi %rem3A_21, %select_n3A_20 : i32
    %select_n3A_30 = arith.select %and3A_28, %add3A_29, %rem3A_21 : i32
    %mul3A_31 = arith.constant 512 : i32
    %mul3A_32 = arith.muli %select_n3A_30, %mul3A_31 : i32
    "tpu.region"() ({
      %run_scoped3A = tpu.sem_alloc : memref<!tpu.dma_semaphore, #tpu.memory_space<semaphore_mem>>
      %dma_start3A = arith.constant 0 : i32
      %dma_start3A_81 = tpu.memref_slice %arg2[%select_n3A, %dma_start3A] : memref<4x4096xi32, #tpu.memory_space<hbm>> -> memref<1x4096xi32, #tpu.memory_space<hbm>>
      %dma_start3A_82 = tpu.memref_squeeze %dma_start3A_81 : memref<1x4096xi32, #tpu.memory_space<hbm>> -> memref<4096xi32, #tpu.memory_space<hbm>>
      %dma_start3A_83 = arith.constant 0 : i32
      %dma_start3A_84 = tpu.memref_slice %arg2[%select_n3A, %dma_start3A_83] : memref<4x4096xi32, #tpu.memory_space<hbm>> -> memref<1x4096xi32, #tpu.memory_space<hbm>>
      %dma_start3A_85 = tpu.memref_squeeze %dma_start3A_84 : memref<1x4096xi32, #tpu.memory_space<hbm>> -> memref<4096xi32, #tpu.memory_space<hbm>>
      tpu.enqueue_dma source(%dma_start3A_85 : memref<4096xi32, #tpu.memory_space<hbm>>) target(%arg5 : memref<4096xi32, #tpu.memory_space<vmem>>) target_semaphore(%run_scoped3A : memref<!tpu.dma_semaphore, #tpu.memory_space<semaphore_mem>>)
      %dma_wait3A = arith.constant 0 : i32
      %dma_wait3A_86 = tpu.memref_slice %arg2[%select_n3A, %dma_wait3A] : memref<4x4096xi32, #tpu.memory_space<hbm>> -> memref<1x4096xi32, #tpu.memory_space<hbm>>
      %dma_wait3A_87 = tpu.memref_squeeze %dma_wait3A_86 : memref<1x4096xi32, #tpu.memory_space<hbm>> -> memref<4096xi32, #tpu.memory_space<hbm>>
      %dma_wait3A_88 = arith.constant 0 : i32
      %dma_wait3A_89 = tpu.memref_slice %arg2[%select_n3A, %dma_wait3A_88] : memref<4x4096xi32, #tpu.memory_space<hbm>> -> memref<1x4096xi32, #tpu.memory_space<hbm>>
      %dma_wait3A_90 = tpu.memref_squeeze %dma_wait3A_89 : memref<1x4096xi32, #tpu.memory_space<hbm>> -> memref<4096xi32, #tpu.memory_space<hbm>>
      tpu.wait_dma2 semaphore(%run_scoped3A : memref<!tpu.dma_semaphore, #tpu.memory_space<semaphore_mem>>) src(%dma_wait3A_90 : memref<4096xi32, #tpu.memory_space<hbm>>) dst(%arg5 : memref<4096xi32, #tpu.memory_space<vmem>>)
      tpu.yield
    }) : () -> ()
    "tpu.region"() ({
      %run_scoped3A = tpu.sem_alloc : memref<!tpu.dma_semaphore, #tpu.memory_space<semaphore_mem>>
      %dma_start3A = arith.constant 0 : i32
      %dma_start3A_81 = arith.constant 0 : i32
      %dma_start3A_82 = tpu.memref_slice %arg3[%dma_start3A, %dma_start3A_81] : memref<8192x2048xf32, #tpu.memory_space<hbm>> -> memref<16x2048xf32, #tpu.memory_space<hbm>>
      %dma_start3A_83 = arith.constant 0 : i32
      %dma_start3A_84 = arith.constant 0 : i32
      %dma_start3A_85 = tpu.memref_slice %arg3[%dma_start3A_83, %dma_start3A_84] : memref<8192x2048xf32, #tpu.memory_space<hbm>> -> memref<16x2048xf32, #tpu.memory_space<hbm>>
      tpu.enqueue_dma source(%dma_start3A_85 : memref<16x2048xf32, #tpu.memory_space<hbm>>) target(%arg6 : memref<16x2048xf32, #tpu.memory_space<vmem>>) target_semaphore(%run_scoped3A : memref<!tpu.dma_semaphore, #tpu.memory_space<semaphore_mem>>)
      %dma_wait3A = arith.constant 0 : i32
      %dma_wait3A_86 = arith.constant 0 : i32
      %dma_wait3A_87 = tpu.memref_slice %arg3[%dma_wait3A, %dma_wait3A_86] : memref<8192x2048xf32, #tpu.memory_space<hbm>> -> memref<16x2048xf32, #tpu.memory_space<hbm>>
      %dma_wait3A_88 = arith.constant 0 : i32
      %dma_wait3A_89 = arith.constant 0 : i32
      %dma_wait3A_90 = tpu.memref_slice %arg3[%dma_wait3A_88, %dma_wait3A_89] : memref<8192x2048xf32, #tpu.memory_space<hbm>> -> memref<16x2048xf32, #tpu.memory_space<hbm>>
      tpu.wait_dma2 semaphore(%run_scoped3A : memref<!tpu.dma_semaphore, #tpu.memory_space<semaphore_mem>>) src(%dma_wait3A_90 : memref<16x2048xf32, #tpu.memory_space<hbm>>) dst(%arg6 : memref<16x2048xf32, #tpu.memory_space<vmem>>)
      tpu.yield
    }) : () -> ()
    %iota3A = tpu.iota {dimensions = array<i32: 0>} : vector<16xi32>
    %jit3A_33 = arith.constant 16 : i32
    %div3A_34 = arith.divsi %mul3A_32, %jit3A_33 : i32
    %sign3A_35 = arith.constant 0 : i32
    %sign3A_36 = arith.cmpi sgt, %mul3A_32, %sign3A_35 : i32
    %sign3A_37 = arith.extui %sign3A_36 : i1 to i32
    %sign3A_38 = arith.constant 0 : i32
    %sign3A_39 = arith.cmpi slt, %mul3A_32, %sign3A_38 : i32
    %sign3A_40 = arith.extui %sign3A_39 : i1 to i32
    %sign3A_41 = arith.subi %sign3A_37, %sign3A_40 : i32
    %sign3A_42 = arith.constant 0 : i32
    %sign3A_43 = arith.cmpi sgt, %jit3A_33, %sign3A_42 : i32
    %sign3A_44 = arith.extui %sign3A_43 : i1 to i32
    %sign3A_45 = arith.constant 0 : i32
    %sign3A_46 = arith.cmpi slt, %jit3A_33, %sign3A_45 : i32
    %sign3A_47 = arith.extui %sign3A_46 : i1 to i32
    %sign3A_48 = arith.subi %sign3A_44, %sign3A_47 : i32
    %ne3A_49 = arith.cmpi ne, %sign3A_41, %sign3A_48 : i32
    %rem3A_50 = arith.remsi %mul3A_32, %jit3A_33 : i32
    %ne3A_51 = arith.constant 0 : i32
    %ne3A_52 = arith.cmpi ne, %rem3A_50, %ne3A_51 : i32
    %and3A_53 = arith.andi %ne3A_49, %ne3A_52 : i1
    %sub3A_54 = arith.constant 1 : i32
    %sub3A_55 = arith.subi %div3A_34, %sub3A_54 : i32
    %select_n3A_56 = arith.select %and3A_53, %sub3A_55, %div3A_34 : i32
    %while3A = arith.constant 0 : i32
    %while3A_57 = arith.constant -1 : i32
    %while3A_58 = arith.subi %select_n3A_56, %while3A : i32
    %while3A_59 = arith.addi %while3A, %while3A_58 : i32
    %while3A_60 = arith.constant 1 : i32
    %while3A_61 = arith.divsi %while3A_58, %while3A_60 : i32
    %while3A_62 = arith.muli %while3A_61, %while3A_60 : i32
    %while3A_63 = arith.addi %while3A, %while3A_62 : i32
    %while3A_64 = arith.constant 1 : i32
    %while3A_65 = scf.for %while3A_81 = %while3A to %while3A_63 step %while3A_64 iter_args(%while3A_82 = %while3A_57) -> (i32)  : i32 {
      %mul3A_83 = arith.constant 16 : i32
      %mul3A_84 = arith.muli %while3A_81, %mul3A_83 : i32
      %get3A = arith.index_cast %mul3A_84 : i32 to index
      %get3A_85 = tpu.vector_load %arg5[%get3A] {strides = array<i32>} : memref<4096xi32, #tpu.memory_space<vmem>>, vector<16xi32>,
      %lt3A_86 = arith.constant 10 : i32
      %lt3A_87 = vector.broadcast %lt3A_86 : i32 to vector<16xi32>
      %lt3A_88 = arith.cmpi slt, %get3A_85, %lt3A_87 : vector<16xi32>
      %mul3A_89 = arith.constant 16 : i32
      %mul3A_90 = arith.muli %while3A_81, %mul3A_89 : i32
      %add3A_91 = vector.broadcast %mul3A_90 : i32 to vector<16xi32>
      %add3A_92 = arith.addi %iota3A, %add3A_91 : vector<16xi32>
      %jit3A_93 = arith.constant -1 : i32
      %broadcast_in_dim3A = vector.broadcast %jit3A_93 : i32 to vector<16xi32>
      %select_n3A_94 = arith.select %lt3A_88, %broadcast_in_dim3A, %add3A_92 : vector<16xi1>, vector<16xi32>
      %reduce_max3A = arith.constant true
      %reduce_max3A_95 = vector.broadcast %reduce_max3A : i1 to vector<16xi1>
      %reduce_max3A_96 = arith.constant -2147483648 : i32
      %reduce_max3A_97 = vector.broadcast %reduce_max3A_96 : i32 to vector<16xi32>
      %reduce_max3A_98 = arith.xori %select_n3A_94, %reduce_max3A_97 : vector<16xi32>
      %reduce_max3A_99 = tpu.scan <max>, %reduce_max3A_98 masked %reduce_max3A_95 : vector<16xi32>, vector<16xi1> -> vector<16xi32>
      %reduce_max3A_100 = arith.xori %reduce_max3A_99, %reduce_max3A_97 : vector<16xi32>
      %reduce_max3A_101 = vector.extract %reduce_max3A_100[15] : i32 from vector<16xi32>
      %max3A = arith.maxsi %while3A_82, %reduce_max3A_101 : i32
      scf.yield %max3A : i32
    }
    %while3A_66 = arith.constant 1 : i32
    %while3A_67 = scf.for %while3A_81 = %while3A_63 to %while3A_59 step %while3A_66 iter_args(%while3A_82 = %while3A_65) -> (i32)  : i32 {
      %mul3A_83 = arith.constant 16 : i32
      %mul3A_84 = arith.muli %while3A_81, %mul3A_83 : i32
      %get3A = arith.index_cast %mul3A_84 : i32 to index
      %get3A_85 = tpu.vector_load %arg5[%get3A] {strides = array<i32>} : memref<4096xi32, #tpu.memory_space<vmem>>, vector<16xi32>,
      %lt3A_86 = arith.constant 10 : i32
      %lt3A_87 = vector.broadcast %lt3A_86 : i32 to vector<16xi32>
      %lt3A_88 = arith.cmpi slt, %get3A_85, %lt3A_87 : vector<16xi32>
      %mul3A_89 = arith.constant 16 : i32
      %mul3A_90 = arith.muli %while3A_81, %mul3A_89 : i32
      %add3A_91 = vector.broadcast %mul3A_90 : i32 to vector<16xi32>
      %add3A_92 = arith.addi %iota3A, %add3A_91 : vector<16xi32>
      %jit3A_93 = arith.constant -1 : i32
      %broadcast_in_dim3A = vector.broadcast %jit3A_93 : i32 to vector<16xi32>
      %select_n3A_94 = arith.select %lt3A_88, %broadcast_in_dim3A, %add3A_92 : vector<16xi1>, vector<16xi32>
      %reduce_max3A = arith.constant true
      %reduce_max3A_95 = vector.broadcast %reduce_max3A : i1 to vector<16xi1>
      %reduce_max3A_96 = arith.constant -2147483648 : i32
      %reduce_max3A_97 = vector.broadcast %reduce_max3A_96 : i32 to vector<16xi32>
      %reduce_max3A_98 = arith.xori %select_n3A_94, %reduce_max3A_97 : vector<16xi32>
      %reduce_max3A_99 = tpu.scan <max>, %reduce_max3A_98 masked %reduce_max3A_95 : vector<16xi32>, vector<16xi1> -> vector<16xi32>
      %reduce_max3A_100 = arith.xori %reduce_max3A_99, %reduce_max3A_97 : vector<16xi32>
      %reduce_max3A_101 = vector.extract %reduce_max3A_100[15] : i32 from vector<16xi32>
      %max3A = arith.maxsi %while3A_82, %reduce_max3A_101 : i32
      scf.yield %max3A : i32
    }
    %mul3A_68 = arith.constant 512 : i32
    %mul3A_69 = arith.muli %add3A, %mul3A_68 : i32
    %scan3A = arith.constant 0 : i32
    %scan3A_70 = arith.constant 32 : i32
    %scan3A_71 = arith.addi %scan3A, %scan3A_70 : i32
    %scan3A_72 = arith.constant 1 : i32
    %scan3A_73 = scf.for %scan3A_81 = %scan3A to %scan3A_71 step %scan3A_72 iter_args(%scan3A_82 = %while3A_67) -> (i32)  : i32 {
      %mul3A_83 = arith.constant 16 : i32
      %mul3A_84 = arith.muli %scan3A_81, %mul3A_83 : i32
      %add3A_85 = arith.addi %mul3A_32, %mul3A_84 : i32
      %get3A = arith.index_cast %add3A_85 : i32 to index
      %get3A_86 = tpu.vector_load %arg5[%get3A] {strides = array<i32>} : memref<4096xi32, #tpu.memory_space<vmem>>, vector<16xi32>,
      %mul3A_87 = arith.constant 16 : i32
      %mul3A_88 = arith.muli %scan3A_81, %mul3A_87 : i32
      %add3A_89 = arith.addi %mul3A_32, %mul3A_88 : i32
      %add3A_90 = arith.constant 0 : i32
      %add3A_91 = arith.addi %add3A_89, %add3A_90 : i32
      %slice3A = vector.extract_strided_slice %get3A_86 {offsets = [0], sizes = [1], strides = [1]} : vector<16xi32> to vector<1xi32>
      %squeeze3A = vector.extract %slice3A[0] : i32 from vector<1xi32>
      %lt3A_92 = arith.constant 10 : i32
      %lt3A_93 = arith.cmpi slt, %squeeze3A, %lt3A_92 : i32
      %select_n3A_94 = arith.select %lt3A_93, %scan3A_82, %add3A_91 : i32
      %sub3A_95 = arith.subi %add3A_91, %select_n3A_94 : i32
      %lt3A_96 = arith.constant 16 : i32
      %lt3A_97 = arith.cmpi slt, %sub3A_95, %lt3A_96 : i32
      %convert_element_type3A = arith.extui %lt3A_97 : i1 to i32
      %cond3A = arith.constant 0 : i32
      %cond3A_98 = arith.cmpi ne, %convert_element_type3A, %cond3A : i32
      scf.if %cond3A_98 {
        %sub3A_418 = arith.subi %mul3A_69, %mul3A_32 : i32
        %add3A_419 = arith.addi %sub3A_418, %add3A_91 : i32
        %dma_start3A = arith.constant 0 : i32
        %dma_start3A_420 = tpu.memref_slice %arg6[%sub3A_95, %dma_start3A] : memref<16x2048xf32, #tpu.memory_space<vmem>> -> memref<1x2048xf32, #tpu.memory_space<vmem>>
        %dma_start3A_421 = tpu.memref_squeeze %dma_start3A_420 : memref<1x2048xf32, #tpu.memory_space<vmem>> -> memref<2048xf32, #tpu.memory_space<vmem>>
        %dma_start3A_422 = arith.constant 0 : i32
        %dma_start3A_423 = tpu.memref_slice %arg4[%add3A_419, %dma_start3A_422] : memref<16384x2048xf32, #tpu.memory_space<hbm>> -> memref<1x2048xf32, #tpu.memory_space<hbm>>
        %dma_start3A_424 = tpu.memref_squeeze %dma_start3A_423 : memref<1x2048xf32, #tpu.memory_space<hbm>> -> memref<2048xf32, #tpu.memory_space<hbm>>
        %dma_start3A_425 = arith.constant 0 : i32
        %dma_start3A_426 = tpu.memref_slice %arg4[%add3A_419, %dma_start3A_425] : memref<16384x2048xf32, #tpu.memory_space<hbm>> -> memref<1x2048xf32, #tpu.memory_space<hbm>>
        %dma_start3A_427 = tpu.memref_squeeze %dma_start3A_426 : memref<1x2048xf32, #tpu.memory_space<hbm>> -> memref<2048xf32, #tpu.memory_space<hbm>>
        %dma_start3A_428 = arith.constant 0 : i32
        %dma_start3A_429 = tpu.memref_slice %arg6[%sub3A_95, %dma_start3A_428] : memref<16x2048xf32, #tpu.memory_space<vmem>> -> memref<1x2048xf32, #tpu.memory_space<vmem>>
        %dma_start3A_430 = tpu.memref_squeeze %dma_start3A_429 : memref<1x2048xf32, #tpu.memory_space<vmem>> -> memref<2048xf32, #tpu.memory_space<vmem>>
        tpu.enqueue_dma source(%dma_start3A_430 : memref<2048xf32, #tpu.memory_space<vmem>>) target(%dma_start3A_427 : memref<2048xf32, #tpu.memory_space<hbm>>) target_semaphore(%arg7 : memref<!tpu.dma_semaphore, #tpu.memory_space<semaphore_mem>>)
      } else {
      }
      %ge3A = arith.constant 16 : i32
      %ge3A_99 = arith.cmpi sge, %sub3A_95, %ge3A : i32
      %convert_element_type3A_100 = arith.extui %ge3A_99 : i1 to i32
      %cond3A_101 = arith.constant 0 : i32
      %cond3A_102 = arith.cmpi ne, %convert_element_type3A_100, %cond3A_101 : i32
      scf.if %cond3A_102 {
        %sub3A_418 = arith.subi %mul3A_69, %mul3A_32 : i32
        %add3A_419 = arith.addi %sub3A_418, %add3A_91 : i32
        %dma_start3A = arith.constant 0 : i32
        %dma_start3A_420 = tpu.memref_slice %arg4[%add3A_419, %dma_start3A] : memref<16384x2048xf32, #tpu.memory_space<hbm>> -> memref<1x2048xf32, #tpu.memory_space<hbm>>
        %dma_start3A_421 = tpu.memref_squeeze %dma_start3A_420 : memref<1x2048xf32, #tpu.memory_space<hbm>> -> memref<2048xf32, #tpu.memory_space<hbm>>
        %dma_start3A_422 = arith.constant 0 : i32
        %dma_start3A_423 = tpu.memref_slice %arg3[%sub3A_95, %dma_start3A_422] : memref<8192x2048xf32, #tpu.memory_space<hbm>> -> memref<1x2048xf32, #tpu.memory_space<hbm>>
        %dma_start3A_424 = tpu.memref_squeeze %dma_start3A_423 : memref<1x2048xf32, #tpu.memory_space<hbm>> -> memref<2048xf32, #tpu.memory_space<hbm>>
        tpu.enqueue_dma source(%dma_start3A_424 : memref<2048xf32, #tpu.memory_space<hbm>>) target(%dma_start3A_421 : memref<2048xf32, #tpu.memory_space<hbm>>) target_semaphore(%arg7 : memref<!tpu.dma_semaphore, #tpu.memory_space<semaphore_mem>>)
      } else {
      }
      %mul3A_103 = arith.constant 16 : i32
      %mul3A_104 = arith.muli %scan3A_81, %mul3A_103 : i32
      %add3A_105 = arith.addi %mul3A_32, %mul3A_104 : i32
      %add3A_106 = arith.constant 1 : i32
      %add3A_107 = arith.addi %add3A_105, %add3A_106 : i32
      %slice3A_108 = vector.extract_strided_slice %get3A_86 {offsets = [1], sizes = [1], strides = [1]} : vector<16xi32> to vector<1xi32>
      %squeeze3A_109 = vector.extract %slice3A_108[0] : i32 from vector<1xi32>
      %lt3A_110 = arith.constant 10 : i32
      %lt3A_111 = arith.cmpi slt, %squeeze3A_109, %lt3A_110 : i32
      %select_n3A_112 = arith.select %lt3A_111, %select_n3A_94, %add3A_107 : i32
      %sub3A_113 = arith.subi %add3A_107, %select_n3A_112 : i32
      %lt3A_114 = arith.constant 16 : i32
      %lt3A_115 = arith.cmpi slt, %sub3A_113, %lt3A_114 : i32
      %convert_element_type3A_116 = arith.extui %lt3A_115 : i1 to i32
      %cond3A_117 = arith.constant 0 : i32
      %cond3A_118 = arith.cmpi ne, %convert_element_type3A_116, %cond3A_117 : i32
      scf.if %cond3A_118 {
        %sub3A_418 = arith.subi %mul3A_69, %mul3A_32 : i32
        %add3A_419 = arith.addi %sub3A_418, %add3A_107 : i32
        %dma_start3A = arith.constant 0 : i32
        %dma_start3A_420 = tpu.memref_slice %arg6[%sub3A_113, %dma_start3A] : memref<16x2048xf32, #tpu.memory_space<vmem>> -> memref<1x2048xf32, #tpu.memory_space<vmem>>
        %dma_start3A_421 = tpu.memref_squeeze %dma_start3A_420 : memref<1x2048xf32, #tpu.memory_space<vmem>> -> memref<2048xf32, #tpu.memory_space<vmem>>
        %dma_start3A_422 = arith.constant 0 : i32
        %dma_start3A_423 = tpu.memref_slice %arg4[%add3A_419, %dma_start3A_422] : memref<16384x2048xf32, #tpu.memory_space<hbm>> -> memref<1x2048xf32, #tpu.memory_space<hbm>>
        %dma_start3A_424 = tpu.memref_squeeze %dma_start3A_423 : memref<1x2048xf32, #tpu.memory_space<hbm>> -> memref<2048xf32, #tpu.memory_space<hbm>>
        %dma_start3A_425 = arith.constant 0 : i32
        %dma_start3A_426 = tpu.memref_slice %arg4[%add3A_419, %dma_start3A_425] : memref<16384x2048xf32, #tpu.memory_space<hbm>> -> memref<1x2048xf32, #tpu.memory_space<hbm>>
        %dma_start3A_427 = tpu.memref_squeeze %dma_start3A_426 : memref<1x2048xf32, #tpu.memory_space<hbm>> -> memref<2048xf32, #tpu.memory_space<hbm>>
        %dma_start3A_428 = arith.constant 0 : i32
        %dma_start3A_429 = tpu.memref_slice %arg6[%sub3A_113, %dma_start3A_428] : memref<16x2048xf32, #tpu.memory_space<vmem>> -> memref<1x2048xf32, #tpu.memory_space<vmem>>
        %dma_start3A_430 = tpu.memref_squeeze %dma_start3A_429 : memref<1x2048xf32, #tpu.memory_space<vmem>> -> memref<2048xf32, #tpu.memory_space<vmem>>
        tpu.enqueue_dma source(%dma_start3A_430 : memref<2048xf32, #tpu.memory_space<vmem>>) target(%dma_start3A_427 : memref<2048xf32, #tpu.memory_space<hbm>>) target_semaphore(%arg7 : memref<!tpu.dma_semaphore, #tpu.memory_space<semaphore_mem>>)
      } else {
      }
      %ge3A_119 = arith.constant 16 : i32
      %ge3A_120 = arith.cmpi sge, %sub3A_113, %ge3A_119 : i32
      %convert_element_type3A_121 = arith.extui %ge3A_120 : i1 to i32
      %cond3A_122 = arith.constant 0 : i32
      %cond3A_123 = arith.cmpi ne, %convert_element_type3A_121, %cond3A_122 : i32
      scf.if %cond3A_123 {
        %sub3A_418 = arith.subi %mul3A_69, %mul3A_32 : i32
        %add3A_419 = arith.addi %sub3A_418, %add3A_107 : i32
        %dma_start3A = arith.constant 0 : i32
        %dma_start3A_420 = tpu.memref_slice %arg4[%add3A_419, %dma_start3A] : memref<16384x2048xf32, #tpu.memory_space<hbm>> -> memref<1x2048xf32, #tpu.memory_space<hbm>>
        %dma_start3A_421 = tpu.memref_squeeze %dma_start3A_420 : memref<1x2048xf32, #tpu.memory_space<hbm>> -> memref<2048xf32, #tpu.memory_space<hbm>>
        %dma_start3A_422 = arith.constant 0 : i32
        %dma_start3A_423 = tpu.memref_slice %arg3[%sub3A_113, %dma_start3A_422] : memref<8192x2048xf32, #tpu.memory_space<hbm>> -> memref<1x2048xf32, #tpu.memory_space<hbm>>
        %dma_start3A_424 = tpu.memref_squeeze %dma_start3A_423 : memref<1x2048xf32, #tpu.memory_space<hbm>> -> memref<2048xf32, #tpu.memory_space<hbm>>
        tpu.enqueue_dma source(%dma_start3A_424 : memref<2048xf32, #tpu.memory_space<hbm>>) target(%dma_start3A_421 : memref<2048xf32, #tpu.memory_space<hbm>>) target_semaphore(%arg7 : memref<!tpu.dma_semaphore, #tpu.memory_space<semaphore_mem>>)
      } else {
      }
      %mul3A_124 = arith.constant 16 : i32
      %mul3A_125 = arith.muli %scan3A_81, %mul3A_124 : i32
      %add3A_126 = arith.addi %mul3A_32, %mul3A_125 : i32
      %add3A_127 = arith.constant 2 : i32
      %add3A_128 = arith.addi %add3A_126, %add3A_127 : i32
      %slice3A_129 = vector.extract_strided_slice %get3A_86 {offsets = [2], sizes = [1], strides = [1]} : vector<16xi32> to vector<1xi32>
      %squeeze3A_130 = vector.extract %slice3A_129[0] : i32 from vector<1xi32>
      %lt3A_131 = arith.constant 10 : i32
      %lt3A_132 = arith.cmpi slt, %squeeze3A_130, %lt3A_131 : i32
      %select_n3A_133 = arith.select %lt3A_132, %select_n3A_112, %add3A_128 : i32
      %sub3A_134 = arith.subi %add3A_128, %select_n3A_133 : i32
      %lt3A_135 = arith.constant 16 : i32
      %lt3A_136 = arith.cmpi slt, %sub3A_134, %lt3A_135 : i32
      %convert_element_type3A_137 = arith.extui %lt3A_136 : i1 to i32
      %cond3A_138 = arith.constant 0 : i32
      %cond3A_139 = arith.cmpi ne, %convert_element_type3A_137, %cond3A_138 : i32
      scf.if %cond3A_139 {
        %sub3A_418 = arith.subi %mul3A_69, %mul3A_32 : i32
        %add3A_419 = arith.addi %sub3A_418, %add3A_128 : i32
        %dma_start3A = arith.constant 0 : i32
        %dma_start3A_420 = tpu.memref_slice %arg6[%sub3A_134, %dma_start3A] : memref<16x2048xf32, #tpu.memory_space<vmem>> -> memref<1x2048xf32, #tpu.memory_space<vmem>>
        %dma_start3A_421 = tpu.memref_squeeze %dma_start3A_420 : memref<1x2048xf32, #tpu.memory_space<vmem>> -> memref<2048xf32, #tpu.memory_space<vmem>>
        %dma_start3A_422 = arith.constant 0 : i32
        %dma_start3A_423 = tpu.memref_slice %arg4[%add3A_419, %dma_start3A_422] : memref<16384x2048xf32, #tpu.memory_space<hbm>> -> memref<1x2048xf32, #tpu.memory_space<hbm>>
        %dma_start3A_424 = tpu.memref_squeeze %dma_start3A_423 : memref<1x2048xf32, #tpu.memory_space<hbm>> -> memref<2048xf32, #tpu.memory_space<hbm>>
        %dma_start3A_425 = arith.constant 0 : i32
        %dma_start3A_426 = tpu.memref_slice %arg4[%add3A_419, %dma_start3A_425] : memref<16384x2048xf32, #tpu.memory_space<hbm>> -> memref<1x2048xf32, #tpu.memory_space<hbm>>
        %dma_start3A_427 = tpu.memref_squeeze %dma_start3A_426 : memref<1x2048xf32, #tpu.memory_space<hbm>> -> memref<2048xf32, #tpu.memory_space<hbm>>
        %dma_start3A_428 = arith.constant 0 : i32
        %dma_start3A_429 = tpu.memref_slice %arg6[%sub3A_134, %dma_start3A_428] : memref<16x2048xf32, #tpu.memory_space<vmem>> -> memref<1x2048xf32, #tpu.memory_space<vmem>>
        %dma_start3A_430 = tpu.memref_squeeze %dma_start3A_429 : memref<1x2048xf32, #tpu.memory_space<vmem>> -> memref<2048xf32, #tpu.memory_space<vmem>>
        tpu.enqueue_dma source(%dma_start3A_430 : memref<2048xf32, #tpu.memory_space<vmem>>) target(%dma_start3A_427 : memref<2048xf32, #tpu.memory_space<hbm>>) target_semaphore(%arg7 : memref<!tpu.dma_semaphore, #tpu.memory_space<semaphore_mem>>)
      } else {
      }
      %ge3A_140 = arith.constant 16 : i32
      %ge3A_141 = arith.cmpi sge, %sub3A_134, %ge3A_140 : i32
      %convert_element_type3A_142 = arith.extui %ge3A_141 : i1 to i32
      %cond3A_143 = arith.constant 0 : i32
      %cond3A_144 = arith.cmpi ne, %convert_element_type3A_142, %cond3A_143 : i32
      scf.if %cond3A_144 {
        %sub3A_418 = arith.subi %mul3A_69, %mul3A_32 : i32
        %add3A_419 = arith.addi %sub3A_418, %add3A_128 : i32
        %dma_start3A = arith.constant 0 : i32
        %dma_start3A_420 = tpu.memref_slice %arg4[%add3A_419, %dma_start3A] : memref<16384x2048xf32, #tpu.memory_space<hbm>> -> memref<1x2048xf32, #tpu.memory_space<hbm>>
        %dma_start3A_421 = tpu.memref_squeeze %dma_start3A_420 : memref<1x2048xf32, #tpu.memory_space<hbm>> -> memref<2048xf32, #tpu.memory_space<hbm>>
        %dma_start3A_422 = arith.constant 0 : i32
        %dma_start3A_423 = tpu.memref_slice %arg3[%sub3A_134, %dma_start3A_422] : memref<8192x2048xf32, #tpu.memory_space<hbm>> -> memref<1x2048xf32, #tpu.memory_space<hbm>>
        %dma_start3A_424 = tpu.memref_squeeze %dma_start3A_423 : memref<1x2048xf32, #tpu.memory_space<hbm>> -> memref<2048xf32, #tpu.memory_space<hbm>>
        tpu.enqueue_dma source(%dma_start3A_424 : memref<2048xf32, #tpu.memory_space<hbm>>) target(%dma_start3A_421 : memref<2048xf32, #tpu.memory_space<hbm>>) target_semaphore(%arg7 : memref<!tpu.dma_semaphore, #tpu.memory_space<semaphore_mem>>)
      } else {
      }
      %mul3A_145 = arith.constant 16 : i32
      %mul3A_146 = arith.muli %scan3A_81, %mul3A_145 : i32
      %add3A_147 = arith.addi %mul3A_32, %mul3A_146 : i32
      %add3A_148 = arith.constant 3 : i32
      %add3A_149 = arith.addi %add3A_147, %add3A_148 : i32
      %slice3A_150 = vector.extract_strided_slice %get3A_86 {offsets = [3], sizes = [1], strides = [1]} : vector<16xi32> to vector<1xi32>
      %squeeze3A_151 = vector.extract %slice3A_150[0] : i32 from vector<1xi32>
      %lt3A_152 = arith.constant 10 : i32
      %lt3A_153 = arith.cmpi slt, %squeeze3A_151, %lt3A_152 : i32
      %select_n3A_154 = arith.select %lt3A_153, %select_n3A_133, %add3A_149 : i32
      %sub3A_155 = arith.subi %add3A_149, %select_n3A_154 : i32
      %lt3A_156 = arith.constant 16 : i32
      %lt3A_157 = arith.cmpi slt, %sub3A_155, %lt3A_156 : i32
      %convert_element_type3A_158 = arith.extui %lt3A_157 : i1 to i32
      %cond3A_159 = arith.constant 0 : i32
      %cond3A_160 = arith.cmpi ne, %convert_element_type3A_158, %cond3A_159 : i32
      scf.if %cond3A_160 {
        %sub3A_418 = arith.subi %mul3A_69, %mul3A_32 : i32
        %add3A_419 = arith.addi %sub3A_418, %add3A_149 : i32
        %dma_start3A = arith.constant 0 : i32
        %dma_start3A_420 = tpu.memref_slice %arg6[%sub3A_155, %dma_start3A] : memref<16x2048xf32, #tpu.memory_space<vmem>> -> memref<1x2048xf32, #tpu.memory_space<vmem>>
        %dma_start3A_421 = tpu.memref_squeeze %dma_start3A_420 : memref<1x2048xf32, #tpu.memory_space<vmem>> -> memref<2048xf32, #tpu.memory_space<vmem>>
        %dma_start3A_422 = arith.constant 0 : i32
        %dma_start3A_423 = tpu.memref_slice %arg4[%add3A_419, %dma_start3A_422] : memref<16384x2048xf32, #tpu.memory_space<hbm>> -> memref<1x2048xf32, #tpu.memory_space<hbm>>
        %dma_start3A_424 = tpu.memref_squeeze %dma_start3A_423 : memref<1x2048xf32, #tpu.memory_space<hbm>> -> memref<2048xf32, #tpu.memory_space<hbm>>
        %dma_start3A_425 = arith.constant 0 : i32
        %dma_start3A_426 = tpu.memref_slice %arg4[%add3A_419, %dma_start3A_425] : memref<16384x2048xf32, #tpu.memory_space<hbm>> -> memref<1x2048xf32, #tpu.memory_space<hbm>>
        %dma_start3A_427 = tpu.memref_squeeze %dma_start3A_426 : memref<1x2048xf32, #tpu.memory_space<hbm>> -> memref<2048xf32, #tpu.memory_space<hbm>>
        %dma_start3A_428 = arith.constant 0 : i32
        %dma_start3A_429 = tpu.memref_slice %arg6[%sub3A_155, %dma_start3A_428] : memref<16x2048xf32, #tpu.memory_space<vmem>> -> memref<1x2048xf32, #tpu.memory_space<vmem>>
        %dma_start3A_430 = tpu.memref_squeeze %dma_start3A_429 : memref<1x2048xf32, #tpu.memory_space<vmem>> -> memref<2048xf32, #tpu.memory_space<vmem>>
        tpu.enqueue_dma source(%dma_start3A_430 : memref<2048xf32, #tpu.memory_space<vmem>>) target(%dma_start3A_427 : memref<2048xf32, #tpu.memory_space<hbm>>) target_semaphore(%arg7 : memref<!tpu.dma_semaphore, #tpu.memory_space<semaphore_mem>>)
      } else {
      }
      %ge3A_161 = arith.constant 16 : i32
      %ge3A_162 = arith.cmpi sge, %sub3A_155, %ge3A_161 : i32
      %convert_element_type3A_163 = arith.extui %ge3A_162 : i1 to i32
      %cond3A_164 = arith.constant 0 : i32
      %cond3A_165 = arith.cmpi ne, %convert_element_type3A_163, %cond3A_164 : i32
      scf.if %cond3A_165 {
        %sub3A_418 = arith.subi %mul3A_69, %mul3A_32 : i32
        %add3A_419 = arith.addi %sub3A_418, %add3A_149 : i32
        %dma_start3A = arith.constant 0 : i32
        %dma_start3A_420 = tpu.memref_slice %arg4[%add3A_419, %dma_start3A] : memref<16384x2048xf32, #tpu.memory_space<hbm>> -> memref<1x2048xf32, #tpu.memory_space<hbm>>
        %dma_start3A_421 = tpu.memref_squeeze %dma_start3A_420 : memref<1x2048xf32, #tpu.memory_space<hbm>> -> memref<2048xf32, #tpu.memory_space<hbm>>
        %dma_start3A_422 = arith.constant 0 : i32
        %dma_start3A_423 = tpu.memref_slice %arg3[%sub3A_155, %dma_start3A_422] : memref<8192x2048xf32, #tpu.memory_space<hbm>> -> memref<1x2048xf32, #tpu.memory_space<hbm>>
        %dma_start3A_424 = tpu.memref_squeeze %dma_start3A_423 : memref<1x2048xf32, #tpu.memory_space<hbm>> -> memref<2048xf32, #tpu.memory_space<hbm>>
        tpu.enqueue_dma source(%dma_start3A_424 : memref<2048xf32, #tpu.memory_space<hbm>>) target(%dma_start3A_421 : memref<2048xf32, #tpu.memory_space<hbm>>) target_semaphore(%arg7 : memref<!tpu.dma_semaphore, #tpu.memory_space<semaphore_mem>>)
      } else {
      }
      %mul3A_166 = arith.constant 16 : i32
      %mul3A_167 = arith.muli %scan3A_81, %mul3A_166 : i32
      %add3A_168 = arith.addi %mul3A_32, %mul3A_167 : i32
      %add3A_169 = arith.constant 4 : i32
      %add3A_170 = arith.addi %add3A_168, %add3A_169 : i32
      %slice3A_171 = vector.extract_strided_slice %get3A_86 {offsets = [4], sizes = [1], strides = [1]} : vector<16xi32> to vector<1xi32>
      %squeeze3A_172 = vector.extract %slice3A_171[0] : i32 from vector<1xi32>
      %lt3A_173 = arith.constant 10 : i32
      %lt3A_174 = arith.cmpi slt, %squeeze3A_172, %lt3A_173 : i32
      %select_n3A_175 = arith.select %lt3A_174, %select_n3A_154, %add3A_170 : i32
      %sub3A_176 = arith.subi %add3A_170, %select_n3A_175 : i32
      %lt3A_177 = arith.constant 16 : i32
      %lt3A_178 = arith.cmpi slt, %sub3A_176, %lt3A_177 : i32
      %convert_element_type3A_179 = arith.extui %lt3A_178 : i1 to i32
      %cond3A_180 = arith.constant 0 : i32
      %cond3A_181 = arith.cmpi ne, %convert_element_type3A_179, %cond3A_180 : i32
      scf.if %cond3A_181 {
        %sub3A_418 = arith.subi %mul3A_69, %mul3A_32 : i32
        %add3A_419 = arith.addi %sub3A_418, %add3A_170 : i32
        %dma_start3A = arith.constant 0 : i32
        %dma_start3A_420 = tpu.memref_slice %arg6[%sub3A_176, %dma_start3A] : memref<16x2048xf32, #tpu.memory_space<vmem>> -> memref<1x2048xf32, #tpu.memory_space<vmem>>
        %dma_start3A_421 = tpu.memref_squeeze %dma_start3A_420 : memref<1x2048xf32, #tpu.memory_space<vmem>> -> memref<2048xf32, #tpu.memory_space<vmem>>
        %dma_start3A_422 = arith.constant 0 : i32
        %dma_start3A_423 = tpu.memref_slice %arg4[%add3A_419, %dma_start3A_422] : memref<16384x2048xf32, #tpu.memory_space<hbm>> -> memref<1x2048xf32, #tpu.memory_space<hbm>>
        %dma_start3A_424 = tpu.memref_squeeze %dma_start3A_423 : memref<1x2048xf32, #tpu.memory_space<hbm>> -> memref<2048xf32, #tpu.memory_space<hbm>>
        %dma_start3A_425 = arith.constant 0 : i32
        %dma_start3A_426 = tpu.memref_slice %arg4[%add3A_419, %dma_start3A_425] : memref<16384x2048xf32, #tpu.memory_space<hbm>> -> memref<1x2048xf32, #tpu.memory_space<hbm>>
        %dma_start3A_427 = tpu.memref_squeeze %dma_start3A_426 : memref<1x2048xf32, #tpu.memory_space<hbm>> -> memref<2048xf32, #tpu.memory_space<hbm>>
        %dma_start3A_428 = arith.constant 0 : i32
        %dma_start3A_429 = tpu.memref_slice %arg6[%sub3A_176, %dma_start3A_428] : memref<16x2048xf32, #tpu.memory_space<vmem>> -> memref<1x2048xf32, #tpu.memory_space<vmem>>
        %dma_start3A_430 = tpu.memref_squeeze %dma_start3A_429 : memref<1x2048xf32, #tpu.memory_space<vmem>> -> memref<2048xf32, #tpu.memory_space<vmem>>
        tpu.enqueue_dma source(%dma_start3A_430 : memref<2048xf32, #tpu.memory_space<vmem>>) target(%dma_start3A_427 : memref<2048xf32, #tpu.memory_space<hbm>>) target_semaphore(%arg7 : memref<!tpu.dma_semaphore, #tpu.memory_space<semaphore_mem>>)
      } else {
      }
      %ge3A_182 = arith.constant 16 : i32
      %ge3A_183 = arith.cmpi sge, %sub3A_176, %ge3A_182 : i32
      %convert_element_type3A_184 = arith.extui %ge3A_183 : i1 to i32
      %cond3A_185 = arith.constant 0 : i32
      %cond3A_186 = arith.cmpi ne, %convert_element_type3A_184, %cond3A_185 : i32
      scf.if %cond3A_186 {
        %sub3A_418 = arith.subi %mul3A_69, %mul3A_32 : i32
        %add3A_419 = arith.addi %sub3A_418, %add3A_170 : i32
        %dma_start3A = arith.constant 0 : i32
        %dma_start3A_420 = tpu.memref_slice %arg4[%add3A_419, %dma_start3A] : memref<16384x2048xf32, #tpu.memory_space<hbm>> -> memref<1x2048xf32, #tpu.memory_space<hbm>>
        %dma_start3A_421 = tpu.memref_squeeze %dma_start3A_420 : memref<1x2048xf32, #tpu.memory_space<hbm>> -> memref<2048xf32, #tpu.memory_space<hbm>>
        %dma_start3A_422 = arith.constant 0 : i32
        %dma_start3A_423 = tpu.memref_slice %arg3[%sub3A_176, %dma_start3A_422] : memref<8192x2048xf32, #tpu.memory_space<hbm>> -> memref<1x2048xf32, #tpu.memory_space<hbm>>
        %dma_start3A_424 = tpu.memref_squeeze %dma_start3A_423 : memref<1x2048xf32, #tpu.memory_space<hbm>> -> memref<2048xf32, #tpu.memory_space<hbm>>
        tpu.enqueue_dma source(%dma_start3A_424 : memref<2048xf32, #tpu.memory_space<hbm>>) target(%dma_start3A_421 : memref<2048xf32, #tpu.memory_space<hbm>>) target_semaphore(%arg7 : memref<!tpu.dma_semaphore, #tpu.memory_space<semaphore_mem>>)
      } else {
      }
      %mul3A_187 = arith.constant 16 : i32
      %mul3A_188 = arith.muli %scan3A_81, %mul3A_187 : i32
      %add3A_189 = arith.addi %mul3A_32, %mul3A_188 : i32
      %add3A_190 = arith.constant 5 : i32
      %add3A_191 = arith.addi %add3A_189, %add3A_190 : i32
      %slice3A_192 = vector.extract_strided_slice %get3A_86 {offsets = [5], sizes = [1], strides = [1]} : vector<16xi32> to vector<1xi32>
      %squeeze3A_193 = vector.extract %slice3A_192[0] : i32 from vector<1xi32>
      %lt3A_194 = arith.constant 10 : i32
      %lt3A_195 = arith.cmpi slt, %squeeze3A_193, %lt3A_194 : i32
      %select_n3A_196 = arith.select %lt3A_195, %select_n3A_175, %add3A_191 : i32
      %sub3A_197 = arith.subi %add3A_191, %select_n3A_196 : i32
      %lt3A_198 = arith.constant 16 : i32
      %lt3A_199 = arith.cmpi slt, %sub3A_197, %lt3A_198 : i32
      %convert_element_type3A_200 = arith.extui %lt3A_199 : i1 to i32
      %cond3A_201 = arith.constant 0 : i32
      %cond3A_202 = arith.cmpi ne, %convert_element_type3A_200, %cond3A_201 : i32
      scf.if %cond3A_202 {
        %sub3A_418 = arith.subi %mul3A_69, %mul3A_32 : i32
        %add3A_419 = arith.addi %sub3A_418, %add3A_191 : i32
        %dma_start3A = arith.constant 0 : i32
        %dma_start3A_420 = tpu.memref_slice %arg6[%sub3A_197, %dma_start3A] : memref<16x2048xf32, #tpu.memory_space<vmem>> -> memref<1x2048xf32, #tpu.memory_space<vmem>>
        %dma_start3A_421 = tpu.memref_squeeze %dma_start3A_420 : memref<1x2048xf32, #tpu.memory_space<vmem>> -> memref<2048xf32, #tpu.memory_space<vmem>>
        %dma_start3A_422 = arith.constant 0 : i32
        %dma_start3A_423 = tpu.memref_slice %arg4[%add3A_419, %dma_start3A_422] : memref<16384x2048xf32, #tpu.memory_space<hbm>> -> memref<1x2048xf32, #tpu.memory_space<hbm>>
        %dma_start3A_424 = tpu.memref_squeeze %dma_start3A_423 : memref<1x2048xf32, #tpu.memory_space<hbm>> -> memref<2048xf32, #tpu.memory_space<hbm>>
        %dma_start3A_425 = arith.constant 0 : i32
        %dma_start3A_426 = tpu.memref_slice %arg4[%add3A_419, %dma_start3A_425] : memref<16384x2048xf32, #tpu.memory_space<hbm>> -> memref<1x2048xf32, #tpu.memory_space<hbm>>
        %dma_start3A_427 = tpu.memref_squeeze %dma_start3A_426 : memref<1x2048xf32, #tpu.memory_space<hbm>> -> memref<2048xf32, #tpu.memory_space<hbm>>
        %dma_start3A_428 = arith.constant 0 : i32
        %dma_start3A_429 = tpu.memref_slice %arg6[%sub3A_197, %dma_start3A_428] : memref<16x2048xf32, #tpu.memory_space<vmem>> -> memref<1x2048xf32, #tpu.memory_space<vmem>>
        %dma_start3A_430 = tpu.memref_squeeze %dma_start3A_429 : memref<1x2048xf32, #tpu.memory_space<vmem>> -> memref<2048xf32, #tpu.memory_space<vmem>>
        tpu.enqueue_dma source(%dma_start3A_430 : memref<2048xf32, #tpu.memory_space<vmem>>) target(%dma_start3A_427 : memref<2048xf32, #tpu.memory_space<hbm>>) target_semaphore(%arg7 : memref<!tpu.dma_semaphore, #tpu.memory_space<semaphore_mem>>)
      } else {
      }
      %ge3A_203 = arith.constant 16 : i32
      %ge3A_204 = arith.cmpi sge, %sub3A_197, %ge3A_203 : i32
      %convert_element_type3A_205 = arith.extui %ge3A_204 : i1 to i32
      %cond3A_206 = arith.constant 0 : i32
      %cond3A_207 = arith.cmpi ne, %convert_element_type3A_205, %cond3A_206 : i32
      scf.if %cond3A_207 {
        %sub3A_418 = arith.subi %mul3A_69, %mul3A_32 : i32
        %add3A_419 = arith.addi %sub3A_418, %add3A_191 : i32
        %dma_start3A = arith.constant 0 : i32
        %dma_start3A_420 = tpu.memref_slice %arg4[%add3A_419, %dma_start3A] : memref<16384x2048xf32, #tpu.memory_space<hbm>> -> memref<1x2048xf32, #tpu.memory_space<hbm>>
        %dma_start3A_421 = tpu.memref_squeeze %dma_start3A_420 : memref<1x2048xf32, #tpu.memory_space<hbm>> -> memref<2048xf32, #tpu.memory_space<hbm>>
        %dma_start3A_422 = arith.constant 0 : i32
        %dma_start3A_423 = tpu.memref_slice %arg3[%sub3A_197, %dma_start3A_422] : memref<8192x2048xf32, #tpu.memory_space<hbm>> -> memref<1x2048xf32, #tpu.memory_space<hbm>>
        %dma_start3A_424 = tpu.memref_squeeze %dma_start3A_423 : memref<1x2048xf32, #tpu.memory_space<hbm>> -> memref<2048xf32, #tpu.memory_space<hbm>>
        tpu.enqueue_dma source(%dma_start3A_424 : memref<2048xf32, #tpu.memory_space<hbm>>) target(%dma_start3A_421 : memref<2048xf32, #tpu.memory_space<hbm>>) target_semaphore(%arg7 : memref<!tpu.dma_semaphore, #tpu.memory_space<semaphore_mem>>)
      } else {
      }
      %mul3A_208 = arith.constant 16 : i32
      %mul3A_209 = arith.muli %scan3A_81, %mul3A_208 : i32
      %add3A_210 = arith.addi %mul3A_32, %mul3A_209 : i32
      %add3A_211 = arith.constant 6 : i32
      %add3A_212 = arith.addi %add3A_210, %add3A_211 : i32
      %slice3A_213 = vector.extract_strided_slice %get3A_86 {offsets = [6], sizes = [1], strides = [1]} : vector<16xi32> to vector<1xi32>
      %squeeze3A_214 = vector.extract %slice3A_213[0] : i32 from vector<1xi32>
      %lt3A_215 = arith.constant 10 : i32
      %lt3A_216 = arith.cmpi slt, %squeeze3A_214, %lt3A_215 : i32
      %select_n3A_217 = arith.select %lt3A_216, %select_n3A_196, %add3A_212 : i32
      %sub3A_218 = arith.subi %add3A_212, %select_n3A_217 : i32
      %lt3A_219 = arith.constant 16 : i32
      %lt3A_220 = arith.cmpi slt, %sub3A_218, %lt3A_219 : i32
      %convert_element_type3A_221 = arith.extui %lt3A_220 : i1 to i32
      %cond3A_222 = arith.constant 0 : i32
      %cond3A_223 = arith.cmpi ne, %convert_element_type3A_221, %cond3A_222 : i32
      scf.if %cond3A_223 {
        %sub3A_418 = arith.subi %mul3A_69, %mul3A_32 : i32
        %add3A_419 = arith.addi %sub3A_418, %add3A_212 : i32
        %dma_start3A = arith.constant 0 : i32
        %dma_start3A_420 = tpu.memref_slice %arg6[%sub3A_218, %dma_start3A] : memref<16x2048xf32, #tpu.memory_space<vmem>> -> memref<1x2048xf32, #tpu.memory_space<vmem>>
        %dma_start3A_421 = tpu.memref_squeeze %dma_start3A_420 : memref<1x2048xf32, #tpu.memory_space<vmem>> -> memref<2048xf32, #tpu.memory_space<vmem>>
        %dma_start3A_422 = arith.constant 0 : i32
        %dma_start3A_423 = tpu.memref_slice %arg4[%add3A_419, %dma_start3A_422] : memref<16384x2048xf32, #tpu.memory_space<hbm>> -> memref<1x2048xf32, #tpu.memory_space<hbm>>
        %dma_start3A_424 = tpu.memref_squeeze %dma_start3A_423 : memref<1x2048xf32, #tpu.memory_space<hbm>> -> memref<2048xf32, #tpu.memory_space<hbm>>
        %dma_start3A_425 = arith.constant 0 : i32
        %dma_start3A_426 = tpu.memref_slice %arg4[%add3A_419, %dma_start3A_425] : memref<16384x2048xf32, #tpu.memory_space<hbm>> -> memref<1x2048xf32, #tpu.memory_space<hbm>>
        %dma_start3A_427 = tpu.memref_squeeze %dma_start3A_426 : memref<1x2048xf32, #tpu.memory_space<hbm>> -> memref<2048xf32, #tpu.memory_space<hbm>>
        %dma_start3A_428 = arith.constant 0 : i32
        %dma_start3A_429 = tpu.memref_slice %arg6[%sub3A_218, %dma_start3A_428] : memref<16x2048xf32, #tpu.memory_space<vmem>> -> memref<1x2048xf32, #tpu.memory_space<vmem>>
        %dma_start3A_430 = tpu.memref_squeeze %dma_start3A_429 : memref<1x2048xf32, #tpu.memory_space<vmem>> -> memref<2048xf32, #tpu.memory_space<vmem>>
        tpu.enqueue_dma source(%dma_start3A_430 : memref<2048xf32, #tpu.memory_space<vmem>>) target(%dma_start3A_427 : memref<2048xf32, #tpu.memory_space<hbm>>) target_semaphore(%arg7 : memref<!tpu.dma_semaphore, #tpu.memory_space<semaphore_mem>>)
      } else {
      }
      %ge3A_224 = arith.constant 16 : i32
      %ge3A_225 = arith.cmpi sge, %sub3A_218, %ge3A_224 : i32
      %convert_element_type3A_226 = arith.extui %ge3A_225 : i1 to i32
      %cond3A_227 = arith.constant 0 : i32
      %cond3A_228 = arith.cmpi ne, %convert_element_type3A_226, %cond3A_227 : i32
      scf.if %cond3A_228 {
        %sub3A_418 = arith.subi %mul3A_69, %mul3A_32 : i32
        %add3A_419 = arith.addi %sub3A_418, %add3A_212 : i32
        %dma_start3A = arith.constant 0 : i32
        %dma_start3A_420 = tpu.memref_slice %arg4[%add3A_419, %dma_start3A] : memref<16384x2048xf32, #tpu.memory_space<hbm>> -> memref<1x2048xf32, #tpu.memory_space<hbm>>
        %dma_start3A_421 = tpu.memref_squeeze %dma_start3A_420 : memref<1x2048xf32, #tpu.memory_space<hbm>> -> memref<2048xf32, #tpu.memory_space<hbm>>
        %dma_start3A_422 = arith.constant 0 : i32
        %dma_start3A_423 = tpu.memref_slice %arg3[%sub3A_218, %dma_start3A_422] : memref<8192x2048xf32, #tpu.memory_space<hbm>> -> memref<1x2048xf32, #tpu.memory_space<hbm>>
        %dma_start3A_424 = tpu.memref_squeeze %dma_start3A_423 : memref<1x2048xf32, #tpu.memory_space<hbm>> -> memref<2048xf32, #tpu.memory_space<hbm>>
        tpu.enqueue_dma source(%dma_start3A_424 : memref<2048xf32, #tpu.memory_space<hbm>>) target(%dma_start3A_421 : memref<2048xf32, #tpu.memory_space<hbm>>) target_semaphore(%arg7 : memref<!tpu.dma_semaphore, #tpu.memory_space<semaphore_mem>>)
      } else {
      }
      %mul3A_229 = arith.constant 16 : i32
      %mul3A_230 = arith.muli %scan3A_81, %mul3A_229 : i32
      %add3A_231 = arith.addi %mul3A_32, %mul3A_230 : i32
      %add3A_232 = arith.constant 7 : i32
      %add3A_233 = arith.addi %add3A_231, %add3A_232 : i32
      %slice3A_234 = vector.extract_strided_slice %get3A_86 {offsets = [7], sizes = [1], strides = [1]} : vector<16xi32> to vector<1xi32>
      %squeeze3A_235 = vector.extract %slice3A_234[0] : i32 from vector<1xi32>
      %lt3A_236 = arith.constant 10 : i32
      %lt3A_237 = arith.cmpi slt, %squeeze3A_235, %lt3A_236 : i32
      %select_n3A_238 = arith.select %lt3A_237, %select_n3A_217, %add3A_233 : i32
      %sub3A_239 = arith.subi %add3A_233, %select_n3A_238 : i32
      %lt3A_240 = arith.constant 16 : i32
      %lt3A_241 = arith.cmpi slt, %sub3A_239, %lt3A_240 : i32
      %convert_element_type3A_242 = arith.extui %lt3A_241 : i1 to i32
      %cond3A_243 = arith.constant 0 : i32
      %cond3A_244 = arith.cmpi ne, %convert_element_type3A_242, %cond3A_243 : i32
      scf.if %cond3A_244 {
        %sub3A_418 = arith.subi %mul3A_69, %mul3A_32 : i32
        %add3A_419 = arith.addi %sub3A_418, %add3A_233 : i32
        %dma_start3A = arith.constant 0 : i32
        %dma_start3A_420 = tpu.memref_slice %arg6[%sub3A_239, %dma_start3A] : memref<16x2048xf32, #tpu.memory_space<vmem>> -> memref<1x2048xf32, #tpu.memory_space<vmem>>
        %dma_start3A_421 = tpu.memref_squeeze %dma_start3A_420 : memref<1x2048xf32, #tpu.memory_space<vmem>> -> memref<2048xf32, #tpu.memory_space<vmem>>
        %dma_start3A_422 = arith.constant 0 : i32
        %dma_start3A_423 = tpu.memref_slice %arg4[%add3A_419, %dma_start3A_422] : memref<16384x2048xf32, #tpu.memory_space<hbm>> -> memref<1x2048xf32, #tpu.memory_space<hbm>>
        %dma_start3A_424 = tpu.memref_squeeze %dma_start3A_423 : memref<1x2048xf32, #tpu.memory_space<hbm>> -> memref<2048xf32, #tpu.memory_space<hbm>>
        %dma_start3A_425 = arith.constant 0 : i32
        %dma_start3A_426 = tpu.memref_slice %arg4[%add3A_419, %dma_start3A_425] : memref<16384x2048xf32, #tpu.memory_space<hbm>> -> memref<1x2048xf32, #tpu.memory_space<hbm>>
        %dma_start3A_427 = tpu.memref_squeeze %dma_start3A_426 : memref<1x2048xf32, #tpu.memory_space<hbm>> -> memref<2048xf32, #tpu.memory_space<hbm>>
        %dma_start3A_428 = arith.constant 0 : i32
        %dma_start3A_429 = tpu.memref_slice %arg6[%sub3A_239, %dma_start3A_428] : memref<16x2048xf32, #tpu.memory_space<vmem>> -> memref<1x2048xf32, #tpu.memory_space<vmem>>
        %dma_start3A_430 = tpu.memref_squeeze %dma_start3A_429 : memref<1x2048xf32, #tpu.memory_space<vmem>> -> memref<2048xf32, #tpu.memory_space<vmem>>
        tpu.enqueue_dma source(%dma_start3A_430 : memref<2048xf32, #tpu.memory_space<vmem>>) target(%dma_start3A_427 : memref<2048xf32, #tpu.memory_space<hbm>>) target_semaphore(%arg7 : memref<!tpu.dma_semaphore, #tpu.memory_space<semaphore_mem>>)
      } else {
      }
      %ge3A_245 = arith.constant 16 : i32
      %ge3A_246 = arith.cmpi sge, %sub3A_239, %ge3A_245 : i32
      %convert_element_type3A_247 = arith.extui %ge3A_246 : i1 to i32
      %cond3A_248 = arith.constant 0 : i32
      %cond3A_249 = arith.cmpi ne, %convert_element_type3A_247, %cond3A_248 : i32
      scf.if %cond3A_249 {
        %sub3A_418 = arith.subi %mul3A_69, %mul3A_32 : i32
        %add3A_419 = arith.addi %sub3A_418, %add3A_233 : i32
        %dma_start3A = arith.constant 0 : i32
        %dma_start3A_420 = tpu.memref_slice %arg4[%add3A_419, %dma_start3A] : memref<16384x2048xf32, #tpu.memory_space<hbm>> -> memref<1x2048xf32, #tpu.memory_space<hbm>>
        %dma_start3A_421 = tpu.memref_squeeze %dma_start3A_420 : memref<1x2048xf32, #tpu.memory_space<hbm>> -> memref<2048xf32, #tpu.memory_space<hbm>>
        %dma_start3A_422 = arith.constant 0 : i32
        %dma_start3A_423 = tpu.memref_slice %arg3[%sub3A_239, %dma_start3A_422] : memref<8192x2048xf32, #tpu.memory_space<hbm>> -> memref<1x2048xf32, #tpu.memory_space<hbm>>
        %dma_start3A_424 = tpu.memref_squeeze %dma_start3A_423 : memref<1x2048xf32, #tpu.memory_space<hbm>> -> memref<2048xf32, #tpu.memory_space<hbm>>
        tpu.enqueue_dma source(%dma_start3A_424 : memref<2048xf32, #tpu.memory_space<hbm>>) target(%dma_start3A_421 : memref<2048xf32, #tpu.memory_space<hbm>>) target_semaphore(%arg7 : memref<!tpu.dma_semaphore, #tpu.memory_space<semaphore_mem>>)
      } else {
      }
      %mul3A_250 = arith.constant 16 : i32
      %mul3A_251 = arith.muli %scan3A_81, %mul3A_250 : i32
      %add3A_252 = arith.addi %mul3A_32, %mul3A_251 : i32
      %add3A_253 = arith.constant 8 : i32
      %add3A_254 = arith.addi %add3A_252, %add3A_253 : i32
      %slice3A_255 = vector.extract_strided_slice %get3A_86 {offsets = [8], sizes = [1], strides = [1]} : vector<16xi32> to vector<1xi32>
      %squeeze3A_256 = vector.extract %slice3A_255[0] : i32 from vector<1xi32>
      %lt3A_257 = arith.constant 10 : i32
      %lt3A_258 = arith.cmpi slt, %squeeze3A_256, %lt3A_257 : i32
      %select_n3A_259 = arith.select %lt3A_258, %select_n3A_238, %add3A_254 : i32
      %sub3A_260 = arith.subi %add3A_254, %select_n3A_259 : i32
      %lt3A_261 = arith.constant 16 : i32
      %lt3A_262 = arith.cmpi slt, %sub3A_260, %lt3A_261 : i32
      %convert_element_type3A_263 = arith.extui %lt3A_262 : i1 to i32
      %cond3A_264 = arith.constant 0 : i32
      %cond3A_265 = arith.cmpi ne, %convert_element_type3A_263, %cond3A_264 : i32
      scf.if %cond3A_265 {
        %sub3A_418 = arith.subi %mul3A_69, %mul3A_32 : i32
        %add3A_419 = arith.addi %sub3A_418, %add3A_254 : i32
        %dma_start3A = arith.constant 0 : i32
        %dma_start3A_420 = tpu.memref_slice %arg6[%sub3A_260, %dma_start3A] : memref<16x2048xf32, #tpu.memory_space<vmem>> -> memref<1x2048xf32, #tpu.memory_space<vmem>>
        %dma_start3A_421 = tpu.memref_squeeze %dma_start3A_420 : memref<1x2048xf32, #tpu.memory_space<vmem>> -> memref<2048xf32, #tpu.memory_space<vmem>>
        %dma_start3A_422 = arith.constant 0 : i32
        %dma_start3A_423 = tpu.memref_slice %arg4[%add3A_419, %dma_start3A_422] : memref<16384x2048xf32, #tpu.memory_space<hbm>> -> memref<1x2048xf32, #tpu.memory_space<hbm>>
        %dma_start3A_424 = tpu.memref_squeeze %dma_start3A_423 : memref<1x2048xf32, #tpu.memory_space<hbm>> -> memref<2048xf32, #tpu.memory_space<hbm>>
        %dma_start3A_425 = arith.constant 0 : i32
        %dma_start3A_426 = tpu.memref_slice %arg4[%add3A_419, %dma_start3A_425] : memref<16384x2048xf32, #tpu.memory_space<hbm>> -> memref<1x2048xf32, #tpu.memory_space<hbm>>
        %dma_start3A_427 = tpu.memref_squeeze %dma_start3A_426 : memref<1x2048xf32, #tpu.memory_space<hbm>> -> memref<2048xf32, #tpu.memory_space<hbm>>
        %dma_start3A_428 = arith.constant 0 : i32
        %dma_start3A_429 = tpu.memref_slice %arg6[%sub3A_260, %dma_start3A_428] : memref<16x2048xf32, #tpu.memory_space<vmem>> -> memref<1x2048xf32, #tpu.memory_space<vmem>>
        %dma_start3A_430 = tpu.memref_squeeze %dma_start3A_429 : memref<1x2048xf32, #tpu.memory_space<vmem>> -> memref<2048xf32, #tpu.memory_space<vmem>>
        tpu.enqueue_dma source(%dma_start3A_430 : memref<2048xf32, #tpu.memory_space<vmem>>) target(%dma_start3A_427 : memref<2048xf32, #tpu.memory_space<hbm>>) target_semaphore(%arg7 : memref<!tpu.dma_semaphore, #tpu.memory_space<semaphore_mem>>)
      } else {
      }
      %ge3A_266 = arith.constant 16 : i32
      %ge3A_267 = arith.cmpi sge, %sub3A_260, %ge3A_266 : i32
      %convert_element_type3A_268 = arith.extui %ge3A_267 : i1 to i32
      %cond3A_269 = arith.constant 0 : i32
      %cond3A_270 = arith.cmpi ne, %convert_element_type3A_268, %cond3A_269 : i32
      scf.if %cond3A_270 {
        %sub3A_418 = arith.subi %mul3A_69, %mul3A_32 : i32
        %add3A_419 = arith.addi %sub3A_418, %add3A_254 : i32
        %dma_start3A = arith.constant 0 : i32
        %dma_start3A_420 = tpu.memref_slice %arg4[%add3A_419, %dma_start3A] : memref<16384x2048xf32, #tpu.memory_space<hbm>> -> memref<1x2048xf32, #tpu.memory_space<hbm>>
        %dma_start3A_421 = tpu.memref_squeeze %dma_start3A_420 : memref<1x2048xf32, #tpu.memory_space<hbm>> -> memref<2048xf32, #tpu.memory_space<hbm>>
        %dma_start3A_422 = arith.constant 0 : i32
        %dma_start3A_423 = tpu.memref_slice %arg3[%sub3A_260, %dma_start3A_422] : memref<8192x2048xf32, #tpu.memory_space<hbm>> -> memref<1x2048xf32, #tpu.memory_space<hbm>>
        %dma_start3A_424 = tpu.memref_squeeze %dma_start3A_423 : memref<1x2048xf32, #tpu.memory_space<hbm>> -> memref<2048xf32, #tpu.memory_space<hbm>>
        tpu.enqueue_dma source(%dma_start3A_424 : memref<2048xf32, #tpu.memory_space<hbm>>) target(%dma_start3A_421 : memref<2048xf32, #tpu.memory_space<hbm>>) target_semaphore(%arg7 : memref<!tpu.dma_semaphore, #tpu.memory_space<semaphore_mem>>)
      } else {
      }
      %mul3A_271 = arith.constant 16 : i32
      %mul3A_272 = arith.muli %scan3A_81, %mul3A_271 : i32
      %add3A_273 = arith.addi %mul3A_32, %mul3A_272 : i32
      %add3A_274 = arith.constant 9 : i32
      %add3A_275 = arith.addi %add3A_273, %add3A_274 : i32
      %slice3A_276 = vector.extract_strided_slice %get3A_86 {offsets = [9], sizes = [1], strides = [1]} : vector<16xi32> to vector<1xi32>
      %squeeze3A_277 = vector.extract %slice3A_276[0] : i32 from vector<1xi32>
      %lt3A_278 = arith.constant 10 : i32
      %lt3A_279 = arith.cmpi slt, %squeeze3A_277, %lt3A_278 : i32
      %select_n3A_280 = arith.select %lt3A_279, %select_n3A_259, %add3A_275 : i32
      %sub3A_281 = arith.subi %add3A_275, %select_n3A_280 : i32
      %lt3A_282 = arith.constant 16 : i32
      %lt3A_283 = arith.cmpi slt, %sub3A_281, %lt3A_282 : i32
      %convert_element_type3A_284 = arith.extui %lt3A_283 : i1 to i32
      %cond3A_285 = arith.constant 0 : i32
      %cond3A_286 = arith.cmpi ne, %convert_element_type3A_284, %cond3A_285 : i32
      scf.if %cond3A_286 {
        %sub3A_418 = arith.subi %mul3A_69, %mul3A_32 : i32
        %add3A_419 = arith.addi %sub3A_418, %add3A_275 : i32
        %dma_start3A = arith.constant 0 : i32
        %dma_start3A_420 = tpu.memref_slice %arg6[%sub3A_281, %dma_start3A] : memref<16x2048xf32, #tpu.memory_space<vmem>> -> memref<1x2048xf32, #tpu.memory_space<vmem>>
        %dma_start3A_421 = tpu.memref_squeeze %dma_start3A_420 : memref<1x2048xf32, #tpu.memory_space<vmem>> -> memref<2048xf32, #tpu.memory_space<vmem>>
        %dma_start3A_422 = arith.constant 0 : i32
        %dma_start3A_423 = tpu.memref_slice %arg4[%add3A_419, %dma_start3A_422] : memref<16384x2048xf32, #tpu.memory_space<hbm>> -> memref<1x2048xf32, #tpu.memory_space<hbm>>
        %dma_start3A_424 = tpu.memref_squeeze %dma_start3A_423 : memref<1x2048xf32, #tpu.memory_space<hbm>> -> memref<2048xf32, #tpu.memory_space<hbm>>
        %dma_start3A_425 = arith.constant 0 : i32
        %dma_start3A_426 = tpu.memref_slice %arg4[%add3A_419, %dma_start3A_425] : memref<16384x2048xf32, #tpu.memory_space<hbm>> -> memref<1x2048xf32, #tpu.memory_space<hbm>>
        %dma_start3A_427 = tpu.memref_squeeze %dma_start3A_426 : memref<1x2048xf32, #tpu.memory_space<hbm>> -> memref<2048xf32, #tpu.memory_space<hbm>>
        %dma_start3A_428 = arith.constant 0 : i32
        %dma_start3A_429 = tpu.memref_slice %arg6[%sub3A_281, %dma_start3A_428] : memref<16x2048xf32, #tpu.memory_space<vmem>> -> memref<1x2048xf32, #tpu.memory_space<vmem>>
        %dma_start3A_430 = tpu.memref_squeeze %dma_start3A_429 : memref<1x2048xf32, #tpu.memory_space<vmem>> -> memref<2048xf32, #tpu.memory_space<vmem>>
        tpu.enqueue_dma source(%dma_start3A_430 : memref<2048xf32, #tpu.memory_space<vmem>>) target(%dma_start3A_427 : memref<2048xf32, #tpu.memory_space<hbm>>) target_semaphore(%arg7 : memref<!tpu.dma_semaphore, #tpu.memory_space<semaphore_mem>>)
      } else {
      }
      %ge3A_287 = arith.constant 16 : i32
      %ge3A_288 = arith.cmpi sge, %sub3A_281, %ge3A_287 : i32
      %convert_element_type3A_289 = arith.extui %ge3A_288 : i1 to i32
      %cond3A_290 = arith.constant 0 : i32
      %cond3A_291 = arith.cmpi ne, %convert_element_type3A_289, %cond3A_290 : i32
      scf.if %cond3A_291 {
        %sub3A_418 = arith.subi %mul3A_69, %mul3A_32 : i32
        %add3A_419 = arith.addi %sub3A_418, %add3A_275 : i32
        %dma_start3A = arith.constant 0 : i32
        %dma_start3A_420 = tpu.memref_slice %arg4[%add3A_419, %dma_start3A] : memref<16384x2048xf32, #tpu.memory_space<hbm>> -> memref<1x2048xf32, #tpu.memory_space<hbm>>
        %dma_start3A_421 = tpu.memref_squeeze %dma_start3A_420 : memref<1x2048xf32, #tpu.memory_space<hbm>> -> memref<2048xf32, #tpu.memory_space<hbm>>
        %dma_start3A_422 = arith.constant 0 : i32
        %dma_start3A_423 = tpu.memref_slice %arg3[%sub3A_281, %dma_start3A_422] : memref<8192x2048xf32, #tpu.memory_space<hbm>> -> memref<1x2048xf32, #tpu.memory_space<hbm>>
        %dma_start3A_424 = tpu.memref_squeeze %dma_start3A_423 : memref<1x2048xf32, #tpu.memory_space<hbm>> -> memref<2048xf32, #tpu.memory_space<hbm>>
        tpu.enqueue_dma source(%dma_start3A_424 : memref<2048xf32, #tpu.memory_space<hbm>>) target(%dma_start3A_421 : memref<2048xf32, #tpu.memory_space<hbm>>) target_semaphore(%arg7 : memref<!tpu.dma_semaphore, #tpu.memory_space<semaphore_mem>>)
      } else {
      }
      %mul3A_292 = arith.constant 16 : i32
      %mul3A_293 = arith.muli %scan3A_81, %mul3A_292 : i32
      %add3A_294 = arith.addi %mul3A_32, %mul3A_293 : i32
      %add3A_295 = arith.constant 10 : i32
      %add3A_296 = arith.addi %add3A_294, %add3A_295 : i32
      %slice3A_297 = vector.extract_strided_slice %get3A_86 {offsets = [10], sizes = [1], strides = [1]} : vector<16xi32> to vector<1xi32>
      %squeeze3A_298 = vector.extract %slice3A_297[0] : i32 from vector<1xi32>
      %lt3A_299 = arith.constant 10 : i32
      %lt3A_300 = arith.cmpi slt, %squeeze3A_298, %lt3A_299 : i32
      %select_n3A_301 = arith.select %lt3A_300, %select_n3A_280, %add3A_296 : i32
      %sub3A_302 = arith.subi %add3A_296, %select_n3A_301 : i32
      %lt3A_303 = arith.constant 16 : i32
      %lt3A_304 = arith.cmpi slt, %sub3A_302, %lt3A_303 : i32
      %convert_element_type3A_305 = arith.extui %lt3A_304 : i1 to i32
      %cond3A_306 = arith.constant 0 : i32
      %cond3A_307 = arith.cmpi ne, %convert_element_type3A_305, %cond3A_306 : i32
      scf.if %cond3A_307 {
        %sub3A_418 = arith.subi %mul3A_69, %mul3A_32 : i32
        %add3A_419 = arith.addi %sub3A_418, %add3A_296 : i32
        %dma_start3A = arith.constant 0 : i32
        %dma_start3A_420 = tpu.memref_slice %arg6[%sub3A_302, %dma_start3A] : memref<16x2048xf32, #tpu.memory_space<vmem>> -> memref<1x2048xf32, #tpu.memory_space<vmem>>
        %dma_start3A_421 = tpu.memref_squeeze %dma_start3A_420 : memref<1x2048xf32, #tpu.memory_space<vmem>> -> memref<2048xf32, #tpu.memory_space<vmem>>
        %dma_start3A_422 = arith.constant 0 : i32
        %dma_start3A_423 = tpu.memref_slice %arg4[%add3A_419, %dma_start3A_422] : memref<16384x2048xf32, #tpu.memory_space<hbm>> -> memref<1x2048xf32, #tpu.memory_space<hbm>>
        %dma_start3A_424 = tpu.memref_squeeze %dma_start3A_423 : memref<1x2048xf32, #tpu.memory_space<hbm>> -> memref<2048xf32, #tpu.memory_space<hbm>>
        %dma_start3A_425 = arith.constant 0 : i32
        %dma_start3A_426 = tpu.memref_slice %arg4[%add3A_419, %dma_start3A_425] : memref<16384x2048xf32, #tpu.memory_space<hbm>> -> memref<1x2048xf32, #tpu.memory_space<hbm>>
        %dma_start3A_427 = tpu.memref_squeeze %dma_start3A_426 : memref<1x2048xf32, #tpu.memory_space<hbm>> -> memref<2048xf32, #tpu.memory_space<hbm>>
        %dma_start3A_428 = arith.constant 0 : i32
        %dma_start3A_429 = tpu.memref_slice %arg6[%sub3A_302, %dma_start3A_428] : memref<16x2048xf32, #tpu.memory_space<vmem>> -> memref<1x2048xf32, #tpu.memory_space<vmem>>
        %dma_start3A_430 = tpu.memref_squeeze %dma_start3A_429 : memref<1x2048xf32, #tpu.memory_space<vmem>> -> memref<2048xf32, #tpu.memory_space<vmem>>
        tpu.enqueue_dma source(%dma_start3A_430 : memref<2048xf32, #tpu.memory_space<vmem>>) target(%dma_start3A_427 : memref<2048xf32, #tpu.memory_space<hbm>>) target_semaphore(%arg7 : memref<!tpu.dma_semaphore, #tpu.memory_space<semaphore_mem>>)
      } else {
      }
      %ge3A_308 = arith.constant 16 : i32
      %ge3A_309 = arith.cmpi sge, %sub3A_302, %ge3A_308 : i32
      %convert_element_type3A_310 = arith.extui %ge3A_309 : i1 to i32
      %cond3A_311 = arith.constant 0 : i32
      %cond3A_312 = arith.cmpi ne, %convert_element_type3A_310, %cond3A_311 : i32
      scf.if %cond3A_312 {
        %sub3A_418 = arith.subi %mul3A_69, %mul3A_32 : i32
        %add3A_419 = arith.addi %sub3A_418, %add3A_296 : i32
        %dma_start3A = arith.constant 0 : i32
        %dma_start3A_420 = tpu.memref_slice %arg4[%add3A_419, %dma_start3A] : memref<16384x2048xf32, #tpu.memory_space<hbm>> -> memref<1x2048xf32, #tpu.memory_space<hbm>>
        %dma_start3A_421 = tpu.memref_squeeze %dma_start3A_420 : memref<1x2048xf32, #tpu.memory_space<hbm>> -> memref<2048xf32, #tpu.memory_space<hbm>>
        %dma_start3A_422 = arith.constant 0 : i32
        %dma_start3A_423 = tpu.memref_slice %arg3[%sub3A_302, %dma_start3A_422] : memref<8192x2048xf32, #tpu.memory_space<hbm>> -> memref<1x2048xf32, #tpu.memory_space<hbm>>
        %dma_start3A_424 = tpu.memref_squeeze %dma_start3A_423 : memref<1x2048xf32, #tpu.memory_space<hbm>> -> memref<2048xf32, #tpu.memory_space<hbm>>
        tpu.enqueue_dma source(%dma_start3A_424 : memref<2048xf32, #tpu.memory_space<hbm>>) target(%dma_start3A_421 : memref<2048xf32, #tpu.memory_space<hbm>>) target_semaphore(%arg7 : memref<!tpu.dma_semaphore, #tpu.memory_space<semaphore_mem>>)
      } else {
      }
      %mul3A_313 = arith.constant 16 : i32
      %mul3A_314 = arith.muli %scan3A_81, %mul3A_313 : i32
      %add3A_315 = arith.addi %mul3A_32, %mul3A_314 : i32
      %add3A_316 = arith.constant 11 : i32
      %add3A_317 = arith.addi %add3A_315, %add3A_316 : i32
      %slice3A_318 = vector.extract_strided_slice %get3A_86 {offsets = [11], sizes = [1], strides = [1]} : vector<16xi32> to vector<1xi32>
      %squeeze3A_319 = vector.extract %slice3A_318[0] : i32 from vector<1xi32>
      %lt3A_320 = arith.constant 10 : i32
      %lt3A_321 = arith.cmpi slt, %squeeze3A_319, %lt3A_320 : i32
      %select_n3A_322 = arith.select %lt3A_321, %select_n3A_301, %add3A_317 : i32
      %sub3A_323 = arith.subi %add3A_317, %select_n3A_322 : i32
      %lt3A_324 = arith.constant 16 : i32
      %lt3A_325 = arith.cmpi slt, %sub3A_323, %lt3A_324 : i32
      %convert_element_type3A_326 = arith.extui %lt3A_325 : i1 to i32
      %cond3A_327 = arith.constant 0 : i32
      %cond3A_328 = arith.cmpi ne, %convert_element_type3A_326, %cond3A_327 : i32
      scf.if %cond3A_328 {
        %sub3A_418 = arith.subi %mul3A_69, %mul3A_32 : i32
        %add3A_419 = arith.addi %sub3A_418, %add3A_317 : i32
        %dma_start3A = arith.constant 0 : i32
        %dma_start3A_420 = tpu.memref_slice %arg6[%sub3A_323, %dma_start3A] : memref<16x2048xf32, #tpu.memory_space<vmem>> -> memref<1x2048xf32, #tpu.memory_space<vmem>>
        %dma_start3A_421 = tpu.memref_squeeze %dma_start3A_420 : memref<1x2048xf32, #tpu.memory_space<vmem>> -> memref<2048xf32, #tpu.memory_space<vmem>>
        %dma_start3A_422 = arith.constant 0 : i32
        %dma_start3A_423 = tpu.memref_slice %arg4[%add3A_419, %dma_start3A_422] : memref<16384x2048xf32, #tpu.memory_space<hbm>> -> memref<1x2048xf32, #tpu.memory_space<hbm>>
        %dma_start3A_424 = tpu.memref_squeeze %dma_start3A_423 : memref<1x2048xf32, #tpu.memory_space<hbm>> -> memref<2048xf32, #tpu.memory_space<hbm>>
        %dma_start3A_425 = arith.constant 0 : i32
        %dma_start3A_426 = tpu.memref_slice %arg4[%add3A_419, %dma_start3A_425] : memref<16384x2048xf32, #tpu.memory_space<hbm>> -> memref<1x2048xf32, #tpu.memory_space<hbm>>
        %dma_start3A_427 = tpu.memref_squeeze %dma_start3A_426 : memref<1x2048xf32, #tpu.memory_space<hbm>> -> memref<2048xf32, #tpu.memory_space<hbm>>
        %dma_start3A_428 = arith.constant 0 : i32
        %dma_start3A_429 = tpu.memref_slice %arg6[%sub3A_323, %dma_start3A_428] : memref<16x2048xf32, #tpu.memory_space<vmem>> -> memref<1x2048xf32, #tpu.memory_space<vmem>>
        %dma_start3A_430 = tpu.memref_squeeze %dma_start3A_429 : memref<1x2048xf32, #tpu.memory_space<vmem>> -> memref<2048xf32, #tpu.memory_space<vmem>>
        tpu.enqueue_dma source(%dma_start3A_430 : memref<2048xf32, #tpu.memory_space<vmem>>) target(%dma_start3A_427 : memref<2048xf32, #tpu.memory_space<hbm>>) target_semaphore(%arg7 : memref<!tpu.dma_semaphore, #tpu.memory_space<semaphore_mem>>)
      } else {
      }
      %ge3A_329 = arith.constant 16 : i32
      %ge3A_330 = arith.cmpi sge, %sub3A_323, %ge3A_329 : i32
      %convert_element_type3A_331 = arith.extui %ge3A_330 : i1 to i32
      %cond3A_332 = arith.constant 0 : i32
      %cond3A_333 = arith.cmpi ne, %convert_element_type3A_331, %cond3A_332 : i32
      scf.if %cond3A_333 {
        %sub3A_418 = arith.subi %mul3A_69, %mul3A_32 : i32
        %add3A_419 = arith.addi %sub3A_418, %add3A_317 : i32
        %dma_start3A = arith.constant 0 : i32
        %dma_start3A_420 = tpu.memref_slice %arg4[%add3A_419, %dma_start3A] : memref<16384x2048xf32, #tpu.memory_space<hbm>> -> memref<1x2048xf32, #tpu.memory_space<hbm>>
        %dma_start3A_421 = tpu.memref_squeeze %dma_start3A_420 : memref<1x2048xf32, #tpu.memory_space<hbm>> -> memref<2048xf32, #tpu.memory_space<hbm>>
        %dma_start3A_422 = arith.constant 0 : i32
        %dma_start3A_423 = tpu.memref_slice %arg3[%sub3A_323, %dma_start3A_422] : memref<8192x2048xf32, #tpu.memory_space<hbm>> -> memref<1x2048xf32, #tpu.memory_space<hbm>>
        %dma_start3A_424 = tpu.memref_squeeze %dma_start3A_423 : memref<1x2048xf32, #tpu.memory_space<hbm>> -> memref<2048xf32, #tpu.memory_space<hbm>>
        tpu.enqueue_dma source(%dma_start3A_424 : memref<2048xf32, #tpu.memory_space<hbm>>) target(%dma_start3A_421 : memref<2048xf32, #tpu.memory_space<hbm>>) target_semaphore(%arg7 : memref<!tpu.dma_semaphore, #tpu.memory_space<semaphore_mem>>)
      } else {
      }
      %mul3A_334 = arith.constant 16 : i32
      %mul3A_335 = arith.muli %scan3A_81, %mul3A_334 : i32
      %add3A_336 = arith.addi %mul3A_32, %mul3A_335 : i32
      %add3A_337 = arith.constant 12 : i32
      %add3A_338 = arith.addi %add3A_336, %add3A_337 : i32
      %slice3A_339 = vector.extract_strided_slice %get3A_86 {offsets = [12], sizes = [1], strides = [1]} : vector<16xi32> to vector<1xi32>
      %squeeze3A_340 = vector.extract %slice3A_339[0] : i32 from vector<1xi32>
      %lt3A_341 = arith.constant 10 : i32
      %lt3A_342 = arith.cmpi slt, %squeeze3A_340, %lt3A_341 : i32
      %select_n3A_343 = arith.select %lt3A_342, %select_n3A_322, %add3A_338 : i32
      %sub3A_344 = arith.subi %add3A_338, %select_n3A_343 : i32
      %lt3A_345 = arith.constant 16 : i32
      %lt3A_346 = arith.cmpi slt, %sub3A_344, %lt3A_345 : i32
      %convert_element_type3A_347 = arith.extui %lt3A_346 : i1 to i32
      %cond3A_348 = arith.constant 0 : i32
      %cond3A_349 = arith.cmpi ne, %convert_element_type3A_347, %cond3A_348 : i32
      scf.if %cond3A_349 {
        %sub3A_418 = arith.subi %mul3A_69, %mul3A_32 : i32
        %add3A_419 = arith.addi %sub3A_418, %add3A_338 : i32
        %dma_start3A = arith.constant 0 : i32
        %dma_start3A_420 = tpu.memref_slice %arg6[%sub3A_344, %dma_start3A] : memref<16x2048xf32, #tpu.memory_space<vmem>> -> memref<1x2048xf32, #tpu.memory_space<vmem>>
        %dma_start3A_421 = tpu.memref_squeeze %dma_start3A_420 : memref<1x2048xf32, #tpu.memory_space<vmem>> -> memref<2048xf32, #tpu.memory_space<vmem>>
        %dma_start3A_422 = arith.constant 0 : i32
        %dma_start3A_423 = tpu.memref_slice %arg4[%add3A_419, %dma_start3A_422] : memref<16384x2048xf32, #tpu.memory_space<hbm>> -> memref<1x2048xf32, #tpu.memory_space<hbm>>
        %dma_start3A_424 = tpu.memref_squeeze %dma_start3A_423 : memref<1x2048xf32, #tpu.memory_space<hbm>> -> memref<2048xf32, #tpu.memory_space<hbm>>
        %dma_start3A_425 = arith.constant 0 : i32
        %dma_start3A_426 = tpu.memref_slice %arg4[%add3A_419, %dma_start3A_425] : memref<16384x2048xf32, #tpu.memory_space<hbm>> -> memref<1x2048xf32, #tpu.memory_space<hbm>>
        %dma_start3A_427 = tpu.memref_squeeze %dma_start3A_426 : memref<1x2048xf32, #tpu.memory_space<hbm>> -> memref<2048xf32, #tpu.memory_space<hbm>>
        %dma_start3A_428 = arith.constant 0 : i32
        %dma_start3A_429 = tpu.memref_slice %arg6[%sub3A_344, %dma_start3A_428] : memref<16x2048xf32, #tpu.memory_space<vmem>> -> memref<1x2048xf32, #tpu.memory_space<vmem>>
        %dma_start3A_430 = tpu.memref_squeeze %dma_start3A_429 : memref<1x2048xf32, #tpu.memory_space<vmem>> -> memref<2048xf32, #tpu.memory_space<vmem>>
        tpu.enqueue_dma source(%dma_start3A_430 : memref<2048xf32, #tpu.memory_space<vmem>>) target(%dma_start3A_427 : memref<2048xf32, #tpu.memory_space<hbm>>) target_semaphore(%arg7 : memref<!tpu.dma_semaphore, #tpu.memory_space<semaphore_mem>>)
      } else {
      }
      %ge3A_350 = arith.constant 16 : i32
      %ge3A_351 = arith.cmpi sge, %sub3A_344, %ge3A_350 : i32
      %convert_element_type3A_352 = arith.extui %ge3A_351 : i1 to i32
      %cond3A_353 = arith.constant 0 : i32
      %cond3A_354 = arith.cmpi ne, %convert_element_type3A_352, %cond3A_353 : i32
      scf.if %cond3A_354 {
        %sub3A_418 = arith.subi %mul3A_69, %mul3A_32 : i32
        %add3A_419 = arith.addi %sub3A_418, %add3A_338 : i32
        %dma_start3A = arith.constant 0 : i32
        %dma_start3A_420 = tpu.memref_slice %arg4[%add3A_419, %dma_start3A] : memref<16384x2048xf32, #tpu.memory_space<hbm>> -> memref<1x2048xf32, #tpu.memory_space<hbm>>
        %dma_start3A_421 = tpu.memref_squeeze %dma_start3A_420 : memref<1x2048xf32, #tpu.memory_space<hbm>> -> memref<2048xf32, #tpu.memory_space<hbm>>
        %dma_start3A_422 = arith.constant 0 : i32
        %dma_start3A_423 = tpu.memref_slice %arg3[%sub3A_344, %dma_start3A_422] : memref<8192x2048xf32, #tpu.memory_space<hbm>> -> memref<1x2048xf32, #tpu.memory_space<hbm>>
        %dma_start3A_424 = tpu.memref_squeeze %dma_start3A_423 : memref<1x2048xf32, #tpu.memory_space<hbm>> -> memref<2048xf32, #tpu.memory_space<hbm>>
        tpu.enqueue_dma source(%dma_start3A_424 : memref<2048xf32, #tpu.memory_space<hbm>>) target(%dma_start3A_421 : memref<2048xf32, #tpu.memory_space<hbm>>) target_semaphore(%arg7 : memref<!tpu.dma_semaphore, #tpu.memory_space<semaphore_mem>>)
      } else {
      }
      %mul3A_355 = arith.constant 16 : i32
      %mul3A_356 = arith.muli %scan3A_81, %mul3A_355 : i32
      %add3A_357 = arith.addi %mul3A_32, %mul3A_356 : i32
      %add3A_358 = arith.constant 13 : i32
      %add3A_359 = arith.addi %add3A_357, %add3A_358 : i32
      %slice3A_360 = vector.extract_strided_slice %get3A_86 {offsets = [13], sizes = [1], strides = [1]} : vector<16xi32> to vector<1xi32>
      %squeeze3A_361 = vector.extract %slice3A_360[0] : i32 from vector<1xi32>
      %lt3A_362 = arith.constant 10 : i32
      %lt3A_363 = arith.cmpi slt, %squeeze3A_361, %lt3A_362 : i32
      %select_n3A_364 = arith.select %lt3A_363, %select_n3A_343, %add3A_359 : i32
      %sub3A_365 = arith.subi %add3A_359, %select_n3A_364 : i32
      %lt3A_366 = arith.constant 16 : i32
      %lt3A_367 = arith.cmpi slt, %sub3A_365, %lt3A_366 : i32
      %convert_element_type3A_368 = arith.extui %lt3A_367 : i1 to i32
      %cond3A_369 = arith.constant 0 : i32
      %cond3A_370 = arith.cmpi ne, %convert_element_type3A_368, %cond3A_369 : i32
      scf.if %cond3A_370 {
        %sub3A_418 = arith.subi %mul3A_69, %mul3A_32 : i32
        %add3A_419 = arith.addi %sub3A_418, %add3A_359 : i32
        %dma_start3A = arith.constant 0 : i32
        %dma_start3A_420 = tpu.memref_slice %arg6[%sub3A_365, %dma_start3A] : memref<16x2048xf32, #tpu.memory_space<vmem>> -> memref<1x2048xf32, #tpu.memory_space<vmem>>
        %dma_start3A_421 = tpu.memref_squeeze %dma_start3A_420 : memref<1x2048xf32, #tpu.memory_space<vmem>> -> memref<2048xf32, #tpu.memory_space<vmem>>
        %dma_start3A_422 = arith.constant 0 : i32
        %dma_start3A_423 = tpu.memref_slice %arg4[%add3A_419, %dma_start3A_422] : memref<16384x2048xf32, #tpu.memory_space<hbm>> -> memref<1x2048xf32, #tpu.memory_space<hbm>>
        %dma_start3A_424 = tpu.memref_squeeze %dma_start3A_423 : memref<1x2048xf32, #tpu.memory_space<hbm>> -> memref<2048xf32, #tpu.memory_space<hbm>>
        %dma_start3A_425 = arith.constant 0 : i32
        %dma_start3A_426 = tpu.memref_slice %arg4[%add3A_419, %dma_start3A_425] : memref<16384x2048xf32, #tpu.memory_space<hbm>> -> memref<1x2048xf32, #tpu.memory_space<hbm>>
        %dma_start3A_427 = tpu.memref_squeeze %dma_start3A_426 : memref<1x2048xf32, #tpu.memory_space<hbm>> -> memref<2048xf32, #tpu.memory_space<hbm>>
        %dma_start3A_428 = arith.constant 0 : i32
        %dma_start3A_429 = tpu.memref_slice %arg6[%sub3A_365, %dma_start3A_428] : memref<16x2048xf32, #tpu.memory_space<vmem>> -> memref<1x2048xf32, #tpu.memory_space<vmem>>
        %dma_start3A_430 = tpu.memref_squeeze %dma_start3A_429 : memref<1x2048xf32, #tpu.memory_space<vmem>> -> memref<2048xf32, #tpu.memory_space<vmem>>
        tpu.enqueue_dma source(%dma_start3A_430 : memref<2048xf32, #tpu.memory_space<vmem>>) target(%dma_start3A_427 : memref<2048xf32, #tpu.memory_space<hbm>>) target_semaphore(%arg7 : memref<!tpu.dma_semaphore, #tpu.memory_space<semaphore_mem>>)
      } else {
      }
      %ge3A_371 = arith.constant 16 : i32
      %ge3A_372 = arith.cmpi sge, %sub3A_365, %ge3A_371 : i32
      %convert_element_type3A_373 = arith.extui %ge3A_372 : i1 to i32
      %cond3A_374 = arith.constant 0 : i32
      %cond3A_375 = arith.cmpi ne, %convert_element_type3A_373, %cond3A_374 : i32
      scf.if %cond3A_375 {
        %sub3A_418 = arith.subi %mul3A_69, %mul3A_32 : i32
        %add3A_419 = arith.addi %sub3A_418, %add3A_359 : i32
        %dma_start3A = arith.constant 0 : i32
        %dma_start3A_420 = tpu.memref_slice %arg4[%add3A_419, %dma_start3A] : memref<16384x2048xf32, #tpu.memory_space<hbm>> -> memref<1x2048xf32, #tpu.memory_space<hbm>>
        %dma_start3A_421 = tpu.memref_squeeze %dma_start3A_420 : memref<1x2048xf32, #tpu.memory_space<hbm>> -> memref<2048xf32, #tpu.memory_space<hbm>>
        %dma_start3A_422 = arith.constant 0 : i32
        %dma_start3A_423 = tpu.memref_slice %arg3[%sub3A_365, %dma_start3A_422] : memref<8192x2048xf32, #tpu.memory_space<hbm>> -> memref<1x2048xf32, #tpu.memory_space<hbm>>
        %dma_start3A_424 = tpu.memref_squeeze %dma_start3A_423 : memref<1x2048xf32, #tpu.memory_space<hbm>> -> memref<2048xf32, #tpu.memory_space<hbm>>
        tpu.enqueue_dma source(%dma_start3A_424 : memref<2048xf32, #tpu.memory_space<hbm>>) target(%dma_start3A_421 : memref<2048xf32, #tpu.memory_space<hbm>>) target_semaphore(%arg7 : memref<!tpu.dma_semaphore, #tpu.memory_space<semaphore_mem>>)
      } else {
      }
      %mul3A_376 = arith.constant 16 : i32
      %mul3A_377 = arith.muli %scan3A_81, %mul3A_376 : i32
      %add3A_378 = arith.addi %mul3A_32, %mul3A_377 : i32
      %add3A_379 = arith.constant 14 : i32
      %add3A_380 = arith.addi %add3A_378, %add3A_379 : i32
      %slice3A_381 = vector.extract_strided_slice %get3A_86 {offsets = [14], sizes = [1], strides = [1]} : vector<16xi32> to vector<1xi32>
      %squeeze3A_382 = vector.extract %slice3A_381[0] : i32 from vector<1xi32>
      %lt3A_383 = arith.constant 10 : i32
      %lt3A_384 = arith.cmpi slt, %squeeze3A_382, %lt3A_383 : i32
      %select_n3A_385 = arith.select %lt3A_384, %select_n3A_364, %add3A_380 : i32
      %sub3A_386 = arith.subi %add3A_380, %select_n3A_385 : i32
      %lt3A_387 = arith.constant 16 : i32
      %lt3A_388 = arith.cmpi slt, %sub3A_386, %lt3A_387 : i32
      %convert_element_type3A_389 = arith.extui %lt3A_388 : i1 to i32
      %cond3A_390 = arith.constant 0 : i32
      %cond3A_391 = arith.cmpi ne, %convert_element_type3A_389, %cond3A_390 : i32
      scf.if %cond3A_391 {
        %sub3A_418 = arith.subi %mul3A_69, %mul3A_32 : i32
        %add3A_419 = arith.addi %sub3A_418, %add3A_380 : i32
        %dma_start3A = arith.constant 0 : i32
        %dma_start3A_420 = tpu.memref_slice %arg6[%sub3A_386, %dma_start3A] : memref<16x2048xf32, #tpu.memory_space<vmem>> -> memref<1x2048xf32, #tpu.memory_space<vmem>>
        %dma_start3A_421 = tpu.memref_squeeze %dma_start3A_420 : memref<1x2048xf32, #tpu.memory_space<vmem>> -> memref<2048xf32, #tpu.memory_space<vmem>>
        %dma_start3A_422 = arith.constant 0 : i32
        %dma_start3A_423 = tpu.memref_slice %arg4[%add3A_419, %dma_start3A_422] : memref<16384x2048xf32, #tpu.memory_space<hbm>> -> memref<1x2048xf32, #tpu.memory_space<hbm>>
        %dma_start3A_424 = tpu.memref_squeeze %dma_start3A_423 : memref<1x2048xf32, #tpu.memory_space<hbm>> -> memref<2048xf32, #tpu.memory_space<hbm>>
        %dma_start3A_425 = arith.constant 0 : i32
        %dma_start3A_426 = tpu.memref_slice %arg4[%add3A_419, %dma_start3A_425] : memref<16384x2048xf32, #tpu.memory_space<hbm>> -> memref<1x2048xf32, #tpu.memory_space<hbm>>
        %dma_start3A_427 = tpu.memref_squeeze %dma_start3A_426 : memref<1x2048xf32, #tpu.memory_space<hbm>> -> memref<2048xf32, #tpu.memory_space<hbm>>
        %dma_start3A_428 = arith.constant 0 : i32
        %dma_start3A_429 = tpu.memref_slice %arg6[%sub3A_386, %dma_start3A_428] : memref<16x2048xf32, #tpu.memory_space<vmem>> -> memref<1x2048xf32, #tpu.memory_space<vmem>>
        %dma_start3A_430 = tpu.memref_squeeze %dma_start3A_429 : memref<1x2048xf32, #tpu.memory_space<vmem>> -> memref<2048xf32, #tpu.memory_space<vmem>>
        tpu.enqueue_dma source(%dma_start3A_430 : memref<2048xf32, #tpu.memory_space<vmem>>) target(%dma_start3A_427 : memref<2048xf32, #tpu.memory_space<hbm>>) target_semaphore(%arg7 : memref<!tpu.dma_semaphore, #tpu.memory_space<semaphore_mem>>)
      } else {
      }
      %ge3A_392 = arith.constant 16 : i32
      %ge3A_393 = arith.cmpi sge, %sub3A_386, %ge3A_392 : i32
      %convert_element_type3A_394 = arith.extui %ge3A_393 : i1 to i32
      %cond3A_395 = arith.constant 0 : i32
      %cond3A_396 = arith.cmpi ne, %convert_element_type3A_394, %cond3A_395 : i32
      scf.if %cond3A_396 {
        %sub3A_418 = arith.subi %mul3A_69, %mul3A_32 : i32
        %add3A_419 = arith.addi %sub3A_418, %add3A_380 : i32
        %dma_start3A = arith.constant 0 : i32
        %dma_start3A_420 = tpu.memref_slice %arg4[%add3A_419, %dma_start3A] : memref<16384x2048xf32, #tpu.memory_space<hbm>> -> memref<1x2048xf32, #tpu.memory_space<hbm>>
        %dma_start3A_421 = tpu.memref_squeeze %dma_start3A_420 : memref<1x2048xf32, #tpu.memory_space<hbm>> -> memref<2048xf32, #tpu.memory_space<hbm>>
        %dma_start3A_422 = arith.constant 0 : i32
        %dma_start3A_423 = tpu.memref_slice %arg3[%sub3A_386, %dma_start3A_422] : memref<8192x2048xf32, #tpu.memory_space<hbm>> -> memref<1x2048xf32, #tpu.memory_space<hbm>>
        %dma_start3A_424 = tpu.memref_squeeze %dma_start3A_423 : memref<1x2048xf32, #tpu.memory_space<hbm>> -> memref<2048xf32, #tpu.memory_space<hbm>>
        tpu.enqueue_dma source(%dma_start3A_424 : memref<2048xf32, #tpu.memory_space<hbm>>) target(%dma_start3A_421 : memref<2048xf32, #tpu.memory_space<hbm>>) target_semaphore(%arg7 : memref<!tpu.dma_semaphore, #tpu.memory_space<semaphore_mem>>)
      } else {
      }
      %mul3A_397 = arith.constant 16 : i32
      %mul3A_398 = arith.muli %scan3A_81, %mul3A_397 : i32
      %add3A_399 = arith.addi %mul3A_32, %mul3A_398 : i32
      %add3A_400 = arith.constant 15 : i32
      %add3A_401 = arith.addi %add3A_399, %add3A_400 : i32
      %slice3A_402 = vector.extract_strided_slice %get3A_86 {offsets = [15], sizes = [1], strides = [1]} : vector<16xi32> to vector<1xi32>
      %squeeze3A_403 = vector.extract %slice3A_402[0] : i32 from vector<1xi32>
      %lt3A_404 = arith.constant 10 : i32
      %lt3A_405 = arith.cmpi slt, %squeeze3A_403, %lt3A_404 : i32
      %select_n3A_406 = arith.select %lt3A_405, %select_n3A_385, %add3A_401 : i32
      %sub3A_407 = arith.subi %add3A_401, %select_n3A_406 : i32
      %lt3A_408 = arith.constant 16 : i32
      %lt3A_409 = arith.cmpi slt, %sub3A_407, %lt3A_408 : i32
      %convert_element_type3A_410 = arith.extui %lt3A_409 : i1 to i32
      %cond3A_411 = arith.constant 0 : i32
      %cond3A_412 = arith.cmpi ne, %convert_element_type3A_410, %cond3A_411 : i32
      scf.if %cond3A_412 {
        %sub3A_418 = arith.subi %mul3A_69, %mul3A_32 : i32
        %add3A_419 = arith.addi %sub3A_418, %add3A_401 : i32
        %dma_start3A = arith.constant 0 : i32
        %dma_start3A_420 = tpu.memref_slice %arg6[%sub3A_407, %dma_start3A] : memref<16x2048xf32, #tpu.memory_space<vmem>> -> memref<1x2048xf32, #tpu.memory_space<vmem>>
        %dma_start3A_421 = tpu.memref_squeeze %dma_start3A_420 : memref<1x2048xf32, #tpu.memory_space<vmem>> -> memref<2048xf32, #tpu.memory_space<vmem>>
        %dma_start3A_422 = arith.constant 0 : i32
        %dma_start3A_423 = tpu.memref_slice %arg4[%add3A_419, %dma_start3A_422] : memref<16384x2048xf32, #tpu.memory_space<hbm>> -> memref<1x2048xf32, #tpu.memory_space<hbm>>
        %dma_start3A_424 = tpu.memref_squeeze %dma_start3A_423 : memref<1x2048xf32, #tpu.memory_space<hbm>> -> memref<2048xf32, #tpu.memory_space<hbm>>
        %dma_start3A_425 = arith.constant 0 : i32
        %dma_start3A_426 = tpu.memref_slice %arg4[%add3A_419, %dma_start3A_425] : memref<16384x2048xf32, #tpu.memory_space<hbm>> -> memref<1x2048xf32, #tpu.memory_space<hbm>>
        %dma_start3A_427 = tpu.memref_squeeze %dma_start3A_426 : memref<1x2048xf32, #tpu.memory_space<hbm>> -> memref<2048xf32, #tpu.memory_space<hbm>>
        %dma_start3A_428 = arith.constant 0 : i32
        %dma_start3A_429 = tpu.memref_slice %arg6[%sub3A_407, %dma_start3A_428] : memref<16x2048xf32, #tpu.memory_space<vmem>> -> memref<1x2048xf32, #tpu.memory_space<vmem>>
        %dma_start3A_430 = tpu.memref_squeeze %dma_start3A_429 : memref<1x2048xf32, #tpu.memory_space<vmem>> -> memref<2048xf32, #tpu.memory_space<vmem>>
        tpu.enqueue_dma source(%dma_start3A_430 : memref<2048xf32, #tpu.memory_space<vmem>>) target(%dma_start3A_427 : memref<2048xf32, #tpu.memory_space<hbm>>) target_semaphore(%arg7 : memref<!tpu.dma_semaphore, #tpu.memory_space<semaphore_mem>>)
      } else {
      }
      %ge3A_413 = arith.constant 16 : i32
      %ge3A_414 = arith.cmpi sge, %sub3A_407, %ge3A_413 : i32
      %convert_element_type3A_415 = arith.extui %ge3A_414 : i1 to i32
      %cond3A_416 = arith.constant 0 : i32
      %cond3A_417 = arith.cmpi ne, %convert_element_type3A_415, %cond3A_416 : i32
      scf.if %cond3A_417 {
        %sub3A_418 = arith.subi %mul3A_69, %mul3A_32 : i32
        %add3A_419 = arith.addi %sub3A_418, %add3A_401 : i32
        %dma_start3A = arith.constant 0 : i32
        %dma_start3A_420 = tpu.memref_slice %arg4[%add3A_419, %dma_start3A] : memref<16384x2048xf32, #tpu.memory_space<hbm>> -> memref<1x2048xf32, #tpu.memory_space<hbm>>
        %dma_start3A_421 = tpu.memref_squeeze %dma_start3A_420 : memref<1x2048xf32, #tpu.memory_space<hbm>> -> memref<2048xf32, #tpu.memory_space<hbm>>
        %dma_start3A_422 = arith.constant 0 : i32
        %dma_start3A_423 = tpu.memref_slice %arg3[%sub3A_407, %dma_start3A_422] : memref<8192x2048xf32, #tpu.memory_space<hbm>> -> memref<1x2048xf32, #tpu.memory_space<hbm>>
        %dma_start3A_424 = tpu.memref_squeeze %dma_start3A_423 : memref<1x2048xf32, #tpu.memory_space<hbm>> -> memref<2048xf32, #tpu.memory_space<hbm>>
        tpu.enqueue_dma source(%dma_start3A_424 : memref<2048xf32, #tpu.memory_space<hbm>>) target(%dma_start3A_421 : memref<2048xf32, #tpu.memory_space<hbm>>) target_semaphore(%arg7 : memref<!tpu.dma_semaphore, #tpu.memory_space<semaphore_mem>>)
      } else {
      }
      scf.yield %select_n3A_406 : i32
    }
    %scan3A_74 = arith.constant 32 : i32
    %scan3A_75 = arith.constant 0 : i32
    %scan3A_76 = arith.constant 0 : i32
    %scan3A_77 = arith.constant 32 : i32
    %scan3A_78 = arith.addi %scan3A_76, %scan3A_77 : i32
    %scan3A_79 = arith.constant 1 : i32
    scf.for %scan3A_81 = %scan3A_76 to %scan3A_78 step %scan3A_79  : i32 {
      %dma_wait3A = arith.constant 0 : i32
      %dma_wait3A_82 = arith.constant 0 : i32
      %dma_wait3A_83 = tpu.memref_slice %arg3[%dma_wait3A, %dma_wait3A_82] : memref<8192x2048xf32, #tpu.memory_space<hbm>> -> memref<16x2048xf32, #tpu.memory_space<hbm>>
      %dma_wait3A_84 = arith.constant 0 : i32
      %dma_wait3A_85 = arith.constant 0 : i32
      %dma_wait3A_86 = tpu.memref_slice %arg3[%dma_wait3A_84, %dma_wait3A_85] : memref<8192x2048xf32, #tpu.memory_space<hbm>> -> memref<16x2048xf32, #tpu.memory_space<hbm>>
      tpu.wait_dma2 semaphore(%arg7 : memref<!tpu.dma_semaphore, #tpu.memory_space<semaphore_mem>>) src(%dma_wait3A_86 : memref<16x2048xf32, #tpu.memory_space<hbm>>) dst(%arg6 : memref<16x2048xf32, #tpu.memory_space<vmem>>)
    }
    %scan3A_80 = arith.constant 32 : i32
    return
  }
}

</mosaic_0001>

<sc_bundles>
// kernel: _run.3.cloned.1.call-start
scs
__scs_entry_jumppad:
0x0: {  	(pc) =	sbr.rel $0x88, $3  }
0x1: {  	(tag) =	ssettag $0x0;
	lr =	simm.s32 $0x1  }
0x2: {  	[smem:$0x3F9F] =	sst lr;
	_ =	strace $0xD0000000  }
0x3: {  	_ = 	snop  }
0x4: {  	_ = 	snop  }
0x5: {  	_ = 	snop  }
0x6: {  	_ = 	snop  }
0x7: {  	_ = 	snop  }
__scs_overlays_trampoline_lowered:
0x8: {  	[smem:$0x3FAE] =	sst s0  }
0x9: {  	[smem:$0x3FAF] =	sst s1  }
0xa: {  	[smem:$0x3FB0] =	sst s2  }
0xb: {  	[smem:$0x3FB1] =	sst s3  }
0xc: {  	[smem:$0x3FB2] =	sst s4  }
0xd: {  	[smem:$0x3FB3] =	sst s5  }
0xe: {  	[smem:$0x3FB4] =	sst s6  }
0xf: {  	[smem:$0x3FB5] =	sst s7  }
0x10: {  	[smem:$0x3FB6] =	sst s8  }
0x11: {  	[smem:$0x3FB7] =	sst s9;
	s0 =	simm.s32 @!p0 $0x0  }
0x12: {  	s1 =	sld [smem:$0x3F9D];
	s0 =	simm.s32 @p0 $0x1  }
0x13: {  	[smem:$0x3FB8] =	sst s0;
	s0 =	simm.s32 @!p1 $0x0  }
0x14: {  	s2 =	sld [smem:$0x3F9C];
	s0 =	simm.s32 @p1 $0x1  }
0x15: {  	[smem:$0x3FB9] =	sst s0;
	s0 =	simm.s32 @!p2 $0x0  }
0x16: {  	s3 =	sld [smem:$0x3FDB];
	s0 =	simm.s32 @p2 $0x1  }
0x17: {  	s4 =	simm.s32 $0x1BF5;
	[smem:$0x3FBB] =	sst s0  }
0x18: {  	s0 =	sld [smem:$0x3F9E];
	_ =	swait.ge [sflag:s4], $0x0  }
0x19: {  	s7 =	sld [smem:$0x3F9F]  }
0x1a: {  	s8 =	sadd.s32 $0xFFFFE003, lr  }
0x1b: {  	s9 =	sadd.s32 $0xFFFFFEF7, lr;
	s5 =	simm.s32 $0xFFFFFFFF;
	p2 =	slt.u32 s8, $0xFFFFF086  }
0x1c: {  	p1 =	slt.u32 s9, $0xF7A;
	s5 =	simm.s32 @!p2 $0x0  }
0x1d: {  	s5 =	simm.s32 @p1 $0x1;
	p0 =	seq.s32 s7, s2  }
0x1e: {  	s7 =	smul.u32 @!p0 $0xF7A, s2;
	p2 =	seq.s32 @!p0 s5, $0x0  }
0x1f: {  	s9 =	smul.u32 $0xF7A, s1;
	s8 =	simm.s32 @!p0 $0x1BF5;
	p2 =	por !p2, p0  }
0x20: {  	[sflag:s8] =	ssyncset.s32 @!p0 $0xFFFFF086;
	s6 =	sadd.s32 @!p0 s3, s7;
	s7 =	simm.s32 @!p0 $0x108  }
0x21: {  	s3 =	sadd.s32 s3, s9;
	s6 =	sadd.s32 @!p0 $0x88, s6;
	s7 =	simm.s32 @p2 $0x1082  }
0x22: {  	[simem:s7], [sflag:s8] =	dma.local @!p0 [hbm:s6], $0xF7A  }
0x23: {  	s9 =	sor.u32 $0xD0000000, s2;
	s6 =	simm.s32 $0x108;
	_ =	swait.ge @!p0 [sflag:s8], $0x0  }
0x24: {  	s3 =	sadd.s32 $0x88, s3;
	s6 =	simm.s32 @!p1 $0x1082;
	[sflag:s4] =	ssyncset.s32 $0xFFFFF086  }
0x25: {  	[simem:s6], [sflag:s4] =	dma.local [hbm:s3], $0xF7A  }
0x26: {  	[smem:$0x3F9F] =	sst s1;
	(tag) =	ssettag s2;
	_ =	strace s9  }
0x27: {  	s1 =	sld [smem:$0x3FAF]  }
0x28: {  	s2 =	sld [smem:$0x3FB0]  }
0x29: {  	s4 =	sld [smem:$0x3FB2]  }
0x2a: {  	p0 =	seq.s32 s5, $0x0;
	s5 =	sld [smem:$0x3FB3]  }
0x2b: {  	s6 =	sld [smem:$0x3FB4]  }
0x2c: {  	s7 =	sld [smem:$0x3FB5]  }
0x2d: {  	s3 =	simm.s32 $0x108;
	s8 =	sld [smem:$0x3FB6]  }
0x2e: {  	s3 =	simm.s32 @!p0 $0x1082;
	s9 =	sld [smem:$0x3FB7]  }
0x2f: {  	lr =	sadd.s32 s0, s3;
	s0 =	sld [smem:$0x3FAE]  }
0x30: {  	s3 =	sld [smem:$0x3FB1]  }
0x31: {  	[smem:$0x3FBA] =	sst s10  }
0x32: {  	s10 =	sld [smem:$0x3FB8];
	_ =	sdelay $0x3  }
0x33: {  	p0 =	seq.s32 s10, $0x1;
	s10 =	sld [smem:$0x3FBA];
	_ =	sdelay $0x3  }
0x34: {  	[smem:$0x3FBA] =	sst s10  }
0x35: {  	s10 =	sld [smem:$0x3FB9];
	_ =	sdelay $0x3  }
0x36: {  	p1 =	seq.s32 s10, $0x1;
	s10 =	sld [smem:$0x3FBA];
	_ =	sdelay $0x3  }
0x37: {  	[smem:$0x3FBA] =	sst s10  }
0x38: {  	s10 =	sld [smem:$0x3FBB]  }
0x39: {  	_ = 	snop;
	(pc) =	sbr.ind lr, $3  }
0x3a: {  	_ = 	snop  }
0x3b: {  	_ = 	snop  }
0x3c: {  	p2 =	seq.s32 s10, $0x1;
	s10 =	sld [smem:$0x3FBA]  }
0x3d: {  	_ =	shalt  }
0x3e: {  	_ =	shalt  }
0x3f: {  	_ =	shalt  }
0x40: {  	_ =	shalt  }
0x41: {  	_ =	shalt  }
0x42: {  	_ =	shalt  }
0x43: {  	_ =	shalt  }
0x44: {  	_ =	shalt  }
0x45: {  	_ =	shalt  }
0x46: {  	_ =	shalt  }
0x47: {  	_ =	shalt  }
0x48: {  	_ =	shalt  }
0x49: {  	_ =	shalt  }
0x4a: {  	_ =	shalt  }
0x4b: {  	_ =	shalt  }
0x4c: {  	_ =	shalt  }
0x4d: {  	_ =	shalt  }
0x4e: {  	_ =	shalt  }
0x4f: {  	_ =	shalt  }
0x50: {  	_ =	shalt  }
0x51: {  	_ =	shalt  }
0x52: {  	_ =	shalt  }
0x53: {  	_ =	shalt  }
0x54: {  	_ =	shalt  }
0x55: {  	_ =	shalt  }
0x56: {  	_ =	shalt  }
0x57: {  	_ =	shalt  }
0x58: {  	_ =	shalt  }
0x59: {  	_ =	shalt  }
0x5a: {  	_ =	shalt  }
0x5b: {  	_ =	shalt  }
0x5c: {  	_ =	shalt  }
0x5d: {  	_ =	shalt  }
0x5e: {  	_ =	shalt  }
0x5f: {  	_ =	shalt  }
0x60: {  	_ =	shalt  }
0x61: {  	_ =	shalt  }
0x62: {  	_ =	shalt  }
0x63: {  	_ =	shalt  }
0x64: {  	_ =	shalt  }
0x65: {  	_ =	shalt  }
0x66: {  	_ =	shalt  }
0x67: {  	_ =	shalt  }
0x68: {  	_ =	shalt  }
0x69: {  	_ =	shalt  }
0x6a: {  	_ =	shalt  }
0x6b: {  	_ =	shalt  }
0x6c: {  	_ =	shalt  }
0x6d: {  	_ =	shalt  }
0x6e: {  	_ =	shalt  }
0x6f: {  	_ =	shalt  }
0x70: {  	_ =	shalt  }
0x71: {  	_ =	shalt  }
0x72: {  	_ =	shalt  }
0x73: {  	_ =	shalt  }
0x74: {  	_ =	shalt  }
0x75: {  	_ =	shalt  }
0x76: {  	_ =	shalt  }
0x77: {  	_ =	shalt  }
0x78: {  	_ =	shalt  }
0x79: {  	_ =	shalt  }
0x7a: {  	_ =	shalt  }
0x7b: {  	_ =	shalt  }
0x7c: {  	_ =	shalt  }
0x7d: {  	_ =	shalt  }
0x7e: {  	_ =	shalt  }
0x7f: {  	_ =	shalt  }
0x80: {  	_ =	shalt  }
0x81: {  	_ =	shalt  }
0x82: {  	_ =	shalt  }
0x83: {  	_ =	shalt  }
0x84: {  	_ =	shalt  }
0x85: {  	_ =	shalt  }
0x86: {  	_ =	shalt  }
0x87: {  	_ =	shalt  }
.Lfunc_end0:
.L_simem_size_0:
called_computation_lowered:
.L_overlay_start_0:
0x88: {  	s2 =	sld [smem:$0x3FD9]  }
0x89: {  	s3 =	sld [smem:$0x3FFE];
	_ =	sdelay $0x1  }
0x8a: {  	s1 =	srdreg.scid  }
0x8b: {  	s0 =	sand.u32 $0x1, s1  }
0x8c: {  	s18 =	sshll.u32 s0, $0xA;
	s2 =	sadd.s32 s3, s2  }
0x8d: {  	s2 =	sadd.s32 s2, s18  }
0x8e: {  	[smem:$0x3FC6] =	sst s2  }
0x8f: {  	_ = 	snop  }
0x90: {  	s2 =	sld [smem:$0x3FC9]  }
0x91: {  	s19 =	sld [smem:$0x3FC8]  }
0x92: {  	s4 =	sld [smem:$0x3FD0];
	(tm) =	ssettm $0x1  }
0x93: {  	s5 =	sld [smem:$0x3FFB];
	_ =	sdelay $0x3  }
0x94: {  	_ =	strace s5  }
0x95: {  	s5 =	sld [smem:$0x3FFC];
	_ =	sdelay $0x3  }
0x96: {  	_ =	strace s5  }
0x97: {  	s5 =	sld [smem:$0x3FFD];
	_ =	sdelay $0x3  }
0x98: {  	_ =	strace s5  }
0x99: {  	_ =	strace $0x8FFFFFFF  }
0x9a: {  	s20 =	sld [smem:$0x3FDB];
	_ =	sdelay $0x1  }
0x9b: {  	s6 =	simm.s32 $_scs_section_size  }
0x9c: {  	s7 =	simm.s32 $_size__tile_overlayer_lowered;
	s8 =	simm.s32 $_tile_overlayer_lowered  }
0x9d: {  	s23 =	simm.s32 $0x1BFF;
	s22 =	sshll.u32 s8, $0x1;
	s5 =	sadd.s32 s6, s20  }
0x9e: {  	s9 =	simm.s32 $0x0;
	s21 =	sshll.u32 s7, $0x1;
	s7 =	sadd.s32 s22, s5  }
0x9f: {  	[timem:s9], [sflag:s23] =	dma.local [hbm:s7], s21  }
0xa0: {  	_ =	swait.ge [sflag:s23], s21  }
0xa1: {  	s6 =	ssub.s32 $0x0, s21;
	[sflag:s23] =	ssyncset.done $0x0  }
0xa2: {  	[sflag:s23] =	ssyncadd.s32 s6;
	_ =	sdelay $0x1  }
0xa3: {  	s24 =	simm.s32 $0x1B8B  }
0xa4: {  	_ =	swait.ge [sflag:s24], $0x1  }
0xa5: {  	[sflag:s24] =	ssyncset.done $0x0  }
0xa6: {  	s25 =	simm.s32 $0x1B8E;
	[sflag:s24] =	ssyncadd.s32 $0xFFFFFFFF  }
0xa7: {  	s26 =	simm.s32 $execute0_lowered;
	[smem:$0x3FD2] =	sst s25  }
0xa8: {  	s6 =	sshll.u32 s26, $0x1;
	_ =	strace $0x80000046;
	[dreg:$0x1] =	wrdreg $0xFFFFFFFF  }
0xa9: {  	s28 =	simm.s32 $_size_execute0_lowered;
	s5 =	sadd.s32 s5, s6;
	[dreg:$0x0] =	wrdreg $0x0  }
0xaa: {  	s6 =	sshll.u32 s28, $0x1;
	[dreg:$0x2] =	wrdreg s5  }
0xab: {  	[dreg:$0x3] =	wrdreg s6  }
0xac: {  	[dreg:$0x4] =	wrdreg $0xC0  }
0xad: {  	_ =	task [dreg:s9], $0x5FFFF  }
0xae: {  	[dreg:$0x1] =	wrdreg $0xFFFFFFFF  }
0xaf: {  	[dreg:$0x0] =	wrdreg $0x60  }
0xb0: {  	[dreg:$0x2] =	wrdreg s2  }
0xb1: {  	[dreg:$0x3] =	wrdreg s19  }
0xb2: {  	[dreg:$0x4] =	wrdreg s4  }
0xb3: {  	[dreg:$0x5] =	wrdreg $0x9  }
0xb4: {  	_ =	task.clear_ibuf [dreg:s9], $0x6FFFF;
	_ =	strace $0x90000046  }
0xb5: {  	s29 =	simm.s32 $0x9;
	_ =	strace $0x80000048  }
0xb6: {  	_ =	swait.ge [sflag:s29], $0x1  }
0xb7: {  	[sflag:s29] =	ssyncadd.s32 $0xFFFFFFFF  }
0xb8: {  	_ =	strace $0x90000048  }
0xb9: {  	_ =	sfence  }
0xba: {  	s30 =	sld [smem:$0x0];
	_ =	sdelay $0x2  }
0xbb: {  	s31 =	sshll.u32 s1, $0xD;
	s1 =	sshrl.u32 s1, $0x2  }
0xbc: {  	s3 =	sand.u32 $0x4000, s31;
	s1 =	sadd.s32 s1, s30  }
0xbd: {  	s0 =	sor.u32 s3, s0;
	s1 =	sshll.u32 s1, $0x11  }
0xbe: {  	s0 =	sor.u32 s1, s0  }
0xbf: {  	s0 =	sadd.s32 $0x8F2B, s0  }
0xc0: {  	[sflag:s0] =	ssyncadd.remote.s32 $0x1  }
0xc1: {  	_ =	sfence.sel $0xFFFF  }
0xc2: {  	[dreg:$0x0] =	wrdreg $0xFFFFFFFF;
	(pc) =	sbr.abs _section_cstart, $3  }
0xc3: {  	[dreg:$0x1] =	wrdreg $0xFFFFFFFF  }
0xc4: {  	_ =	task.clear_ibuf [dreg:s9], $0x2FFFF;
	_ =	strace $0x9FFFFFFF  }
0xc5: {  	(tm) =	ssettm $0x7FFFFFFF  }
tec
execute0_lowered:
.L_overlay_start_1:
0x0: {  	(tag) =	ssettag $0x1  }
0x1: {  	s6 =	rddreg [dreg:$0x0]  }
0x2: {  	s2 =	rddreg [dreg:$0x1]  }
0x3: {  	s5 =	srdreg.scid;
	s1 =	stileid.u32  }
0x4: {  	s3 =	rddreg [dreg:$0x2];
	s8 =	sand.u32 $0x1, s5;
	s12 =	sshll.u32 s1, $0x1  }
0x5: {  	s0 =	rddreg [dreg:$0x3];
	s4 =	simm.s32 $0x0;
	s5 =	sor.u32 s8, s12  }
0x6: {  	s13 =	sshll.u32 s1, $0x12;
	s7 =	sshll.u32 s8, $0x11;
	s11 =	sand.u32 $0x7, s5  }
0x7: {  	[smem:$0x7FF] =	sst s4;
	s5 =	sor.u32 s7, s13;
	s14 =	sshll.u32 s11, $0x9  }
0x8: {  	_ =	strace $0x80000047;
	s15 =	sor.u32 $0x10, s5;
	[dreg:$0x4] =	wrdreg s14  }
0x9: {  	s16 =	sor.u32 $0x20, s5;
	[dreg:$0x5] =	wrdreg s15  }
0xa: {  	s17 =	sor.u32 $0x30, s5;
	[dreg:$0x6] =	wrdreg s16  }
0xb: {  	s21 =	sshll.u32 s1, $0x2;
	s18 =	sor.u32 $0x40, s5;
	[dreg:$0x7] =	wrdreg s17  }
0xc: {  	s26 =	sand.u32 $0x3, s1;
	s19 =	sor.u32 $0x50, s5;
	[dreg:$0x8] =	wrdreg s18  }
0xd: {  	s9 =	ssub.s32 $0x2, s8;
	s20 =	sor.u32 $0x60, s5;
	[dreg:$0x9] =	wrdreg s19  }
0xe: {  	s8 =	sshll.u32 s8, $0x5;
	s22 =	sor.u32 $0x70, s5;
	[dreg:$0xa] =	wrdreg s20  }
0xf: {  	s10 =	sshrl.u32 s9, $0x1;
	s23 =	sor.u32 $0x800, s5;
	[dreg:$0xb] =	wrdreg s22  }
0x10: {  	s13 =	simm.s32 $0x2;
	s24 =	sor.u32 $0x810, s5;
	[dreg:$0xc] =	wrdreg s23  }
0x11: {  	s9 =	ssub.s32 s9, s10;
	s25 =	sor.u32 $0x820, s5;
	[dreg:$0xd] =	wrdreg s24  }
0x12: {  	s10 =	sand.u32 $0x30, s21;
	s28 =	sor.u32 $0x830, s5;
	[dreg:$0xe] =	wrdreg s25  }
0x13: {  	s29 =	sor.u32 $0x840, s5;
	s30 =	sor.u32 $0x850, s5;
	[dreg:$0xf] =	wrdreg s28  }
0x14: {  	s31 =	sor.u32 $0x860, s5;
	s12 =	sor.u32 $0x870, s5;
	[dreg:$0x10] =	wrdreg s29  }
0x15: {  	p0 =	seq.s32 s11, $0x0;
	s6 =	sadd.s32 s6, s10;
	[dreg:$0x11] =	wrdreg s30  }
0x16: {  	s7 =	smax.u32 s9, $0x1;
	s10 =	sshll.u32 s26, $0x6;
	[dreg:$0x12] =	wrdreg s31  }
0x17: {  	s9 =	sshll.u32 s11, $0x14;
	[dreg:$0x13] =	wrdreg s12;
	s12 =	simm.s32 $0x200  }
0x18: {  	v0 =	vlaneseq.u32;
	s14 =	simm.s32 $0x1000;
	s15 =	simm.s32 $0x1;
	s16 =	simm.s32 $0x0  }
0x19: {  	v0 =	vor.u32 $0x80000000, v0;
	s8 =	sor.u32 s8, s10;
	s10 =	sshll.u32 s11, $0x10;
	s11 =	simm.s32 $0x80  }
.LBB2_1:
0x1a: {  	[tilespmem:s4], [sflag:$0x2] =	stream.strided.gather [hbm4b:s6+s11], $0x1000, s12, s11, $0x38;
	[tilespmem:$0x9000] =	vst v63  }
0x1b: {  	_ =	swait.ge [sflag:s13], $0x1000  }
0x1c: {  	[sflag:s13] =	ssyncset.done $0x0  }
.Ltmp0:
0x1d: {  	[sflag:s13] =	ssyncadd.s32 $0xFFFFF000;
	(pc) =	sbr.rel @p0 .LBB2_15-.Ltmp0, $4  }
0x1e: {  	[tilespmem:s14], [sflag:$0x2] =	stream.linear.gather [hbm4b:s2+s4], $0x8000, $0x38;
	[tilespmem:$0x9000] =	vst v63  }
0x1f: {  	_ =	swait.ge [sflag:s13], $0x8000  }
0x20: {  	[sflag:s13] =	ssyncset.done $0x0  }
0x21: {  	s22 =	simm.s32 $0xFFFFFFFF;
	[sflag:s13] =	ssyncadd.s32 $0xFFFF8000  }
0x22: {  	v1 =	vld [tilespmem:s4+$0x0];
	p5 =	sne.s32 s8, $0x1  }
.Ltmp1:
0x23: {  	_ = 	snop;
	(pc) =	sbr.rel @!p5 .LBB2_3-.Ltmp1, $3  }
0x24: {  	_ =	sdelay $0x1  }
0x25: {  	s18 =	sadd.s32 $0xFFFFFFFF, s8;
	s17 =	sadd.s32 $0x10, s4;
	p1 =	por $0x0, $0x0  }
0x26: {  	p2 =	por $0x0, $0x0;
	p3 =	por $0x0, $0x0;
	p4 =	por $0x0, $0x0;
	vm0 =	vlt.s32 v1, $0xA;
	v1 =	vxor.u32 s4, v0  }
0x27: {  	v2 =	vld [tilespmem:s17+$0x0];
	p5 =	sne.s32 s18, $0x1  }
.Ltmp2:
0x28: {  	_ = 	snop;
	(pc) =	sbr.rel @!p5 .LBB2_5-.Ltmp2, $3  }
0x29: {  	_ =	sdelay $0x1  }
0x2a: {  	v1 =	vsel vm0, $0x7FFFFFFF, v1;
	s19 =	sadd.s32 $0x10, s4  }
0x2b: {  	s18 =	sadd.s32 $0xFFFFFFFF, s18;
	s17 =	sadd.s32 $0x10, s17;
	p1 =	por $0x1, $0x1;
	(xrf0) =	vmax.scan.msk.u32 $0xffff, v1;
	v1 =	vxor.u32 s19, v0;
	vm0 =	vlt.s32 v2, $0xA  }
0x2c: {  	_ = 	snop  }
0x2d: {  	v2 =	vld [tilespmem:s17+$0x0];
	p5 =	sne.s32 s18, $0x1  }
.Ltmp3:
0x2e: {  	_ = 	snop;
	(pc) =	sbr.rel @!p5 .LBB2_7-.Ltmp3, $3  }
0x2f: {  	_ =	sdelay $0x1  }
0x30: {  	v1 =	vsel vm0, $0x7FFFFFFF, v1;
	s19 =	sadd.s32 $0x10, s19;
	v3, _, _ =	vpop (xrf0)  }
0x31: {  	s18 =	sadd.s32 $0xFFFFFFFF, s18;
	s20 =	sadd.s32 $0x10, s17;
	p2 =	por $0x1, $0x1;
	(xrf0) =	vmax.scan.msk.u32 $0xffff, v1;
	vm0 =	vlt.s32 v2, $0xA;
	v1 =	vxor.u32 s19, v0;
	(v2sf) =	vpush v3, $0xF  }
0x32: {  	_ =	sdelay $0x4  }
0x33: {  	v3, _, _ =	vpop (xrf0)  }
0x34: {  	(v2sf) =	vpush v3, $0xF;
	_ =	sdelay $0x2  }
0x35: {  	v2 =	vld [tilespmem:s20+$0x0];
	p5 =	sne.s32 s18, $0x1  }
.Ltmp4:
0x36: {  	_ = 	snop;
	(pc) =	sbr.rel @!p5 .LBB2_9-.Ltmp4, $3  }
0x37: {  	_ =	sdelay $0x1  }
0x38: {  	v1 =	vsel vm0, $0x7FFFFFFF, v1;
	s17 =	sadd.s32 $0x10, s19  }
0x39: {  	s18 =	sadd.s32 $0xFFFFFFFF, s18;
	s21 =	sadd.s32 $0x10, s20;
	p3 =	por $0x1, $0x1;
	(xrf0) =	vmax.scan.msk.u32 $0xffff, v1;
	vm0 =	vlt.s32 v2, $0xA;
	v1 =	vxor.u32 s17, v0  }
0x3a: {  	_ =	sdelay $0x4  }
0x3b: {  	v3, _, _ =	vpop (xrf0)  }
0x3c: {  	(v2sf) =	vpush v3, $0xF;
	_ =	sdelay $0x2  }
0x3d: {  	v2 =	vld [tilespmem:s21+$0x0];
	p5 =	sne.s32 s18, $0x1  }
.Ltmp5:
0x3e: {  	v1 =	vsel vm0, $0x7FFFFFFF, v1;
	(pc) =	sbr.rel @!p5 .LBB2_11-.Ltmp5, $3  }
0x3f: {  	(xrf0) =	vmax.scan.msk.u32 $0xffff, v1;
	_ =	sdelay $0x1  }
0x40: {  	s19 =	sadd.s32 $0xFFFFFFFF, s18;
	s20 =	sadd.s32 $0x10, s17;
	s21 =	sadd.s32 $0x10, s21  }
0x41: {  	s18 =	spop (v2sf);
	p4 =	por $0x1, $0x1;
	s17 =	simm.s32 $0xFFFFFFFF;
	vm0 =	vlt.s32 v2, $0xA;
	v1 =	vxor.u32 s20, v0  }
.LBB2_12:
0x42: {  	s23 =	smov.u32 s17  }
0x43: {  	p5 =	sne.s32 s19, $0x1;
	s19 =	sadd.s32 $0xFFFFFFFF, s19;
	v3 =	vsel vm0, $0x7FFFFFFF, v1;
	s17 =	sxor.u32 $0x80000000, s18;
	v2 =	vld [tilespmem:s21+$0x0]  }
.Ltmp6:
0x44: {  	p6 =	sgt.s32 s23, s17;
	(xrf0) =	vmax.scan.msk.u32 $0xffff, v3;
	v1, _, _ =	vpop (xrf0);
	(pc) =	sbr.rel @p5 .LBB2_12-.Ltmp6, $3  }
0x45: {  	s17 =	smov.u32 @p6 s23;
	(v2sf) =	vpush v1, $0xF;
	_ =	sdelay $0x1  }
0x46: {  	s20 =	sadd.s32 $0x10, s20  }
0x47: {  	s21 =	sadd.s32 $0x10, s21;
	v1 =	vxor.u32 s20, v0;
	vm0 =	vlt.s32 v2, $0xA;
	s18 =	spop (v2sf)  }
0x48: {  	_ = 	snop  }
.LBB2_14:
0x49: {  	v1 =	vsel vm0, $0x7FFFFFFF, v1;
	_ =	sdelay $0x1  }
0x4a: {  	(xrf0) =	vmax.scan.msk.u32 $0xffff, v1  }
0x4b: {  	v1, _, _ =	vpop @p1 (xrf0)  }
0x4c: {  	(v2sf) =	vpush @p1 v1, $0xF;
	_ =	sdelay $0x3  }
0x4d: {  	v1, _, _ =	vpop (xrf0)  }
0x4e: {  	s18 =	sxor.u32 @p4 $0x80000000, s18;
	(v2sf) =	vpush v1, $0xF  }
0x4f: {  	p5 =	sgt.s32 @p4 s17, s18  }
0x50: {  	s19 =	spop @p3 (v2sf);
	p5 =	por !p5, !p4  }
0x51: {  	s17 =	smov.u32 @p5 s18;
	s18 =	smov.u32 @p3 s19;
	s19 =	simm.s32 $0xFFFFFFFF  }
0x52: {  	s19 =	smov.u32 @p4 s17;
	s17 =	sxor.u32 @p3 $0x80000000, s18  }
0x53: {  	p4 =	sgt.s32 @p3 s19, s17  }
0x54: {  	p4 =	por !p4, !p3;
	s18 =	spop @p2 (v2sf)  }
0x55: {  	s19 =	smov.u32 @p4 s17;
	s17 =	smov.u32 @p2 s18;
	s18 =	simm.s32 $0xFFFFFFFF  }
0x56: {  	s18 =	smov.u32 @p3 s19;
	s17 =	sxor.u32 @p2 $0x80000000, s17  }
0x57: {  	p3 =	sgt.s32 @p2 s18, s17  }
0x58: {  	p3 =	por !p3, !p2;
	s19 =	spop @p1 (v2sf)  }
0x59: {  	s18 =	smov.u32 @p3 s17;
	s17 =	smov.u32 @p1 s19;
	s19 =	simm.s32 $0xFFFFFFFF  }
0x5a: {  	s19 =	smov.u32 @p2 s18;
	s17 =	sxor.u32 @p1 $0x80000000, s17  }
0x5b: {  	p2 =	sgt.s32 @p1 s19, s17  }
0x5c: {  	p2 =	por !p2, !p1  }
0x5d: {  	s31 =	spop (v2sf);
	s19 =	smov.u32 @p2 s17  }
0x5e: {  	s17 =	sxor.u32 $0x80000000, s31;
	s22 =	smov.u32 @p1 s19  }
0x5f: {  	p1 =	sgt.s32 s22, s17  }
0x60: {  	s17 =	smov.u32 @p1 s22  }
0x61: {  	s22 =	smov.u32 s17  }
.LBB2_15:
0x62: {  	s17 =	simm.s32 $0x0  }
0x63: {  	s18 =	smov.u32 s10;
	s19 =	smov.u32 s9;
	s20 =	smov.u32 s3  }
.LBB2_16:
0x64: {  	s21 =	rddreg [dreg:$0x4]  }
0x65: {  	s21 =	sadd.s32 s17, s21  }
0x66: {  	s24 =	sand.u32 $0x70, s17;
	s23 =	sand.u32 $0xF80, s21  }
0x67: {  	s23 =	sor.u32 s24, s23  }
0x68: {  	v1 =	vld [tilespmem:s23+$0x0];
	_ =	sdelay $0x4  }
0x69: {  	(v2sf) =	vpush v1, $0x0;
	_ =	sdelay $0xe  }
0x6a: {  	s30 =	spop (v2sf)  }
0x6b: {  	s23 =	smov.u32 s21;
	p1 =	slt.s32 s30, $0xA  }
0x6c: {  	s23 =	smov.u32 @p1 s22  }
0x6d: {  	s22 =	sshll.u32 s23, $0xB;
	s31 =	sshll.u32 s23, $0x7  }
0x6e: {  	s25 =	ssub.s32 s21, s23;
	s22 =	ssub.s32 s19, s22;
	s24 =	ssub.s32 s18, s31  }
0x6f: {  	p1 =	sgt.s32 s25, $0xF;
	s22 =	sand.u32 $0xFFFFC000, s22;
	s24 =	sand.u32 $0x380, s24  }
0x70: {  	s26 =	sadd.s32 s20, s5;
	s28 =	sshll.u32 @p1 s1, $0x6;
	s25 =	sor.u32 @p1 s24, s22  }
0x71: {  	s29 =	simm.s32 @p1 $0x1;
	s30 =	simm.s32 @p1 $0x80;
	s25 =	sshrl.u32 @p1 s25, $0x3  }
0x72: {  	s28 =	sor.u32 @p1 $0x1C01, s28;
	s22 =	sadd.s32 @!p1 s24, s22;
	s25 =	sadd.s32 @p1 s2, s25  }
0x73: {  	[hbm:s26@s30], [sflag:s28] =	dma.strided @p1 [hbm:s25@s30], $0x100, s29, $0x10   }
0x74: {  	s24 =	sadd.s32 @!p1 $0x1000, s22;
	s25 =	simm.s32 @!p1 $0x0  }
0x75: {  	[hbm4b:s26+s25] =	stream.linear.scatter @!p1 [tilespmem:s24], [sflag:$0x1], $0x80, $0x38;
	[tilespmem:$0x9000] =	vst v63  }
0x76: {  	s28 =	sadd.s32 @!p1 $0x80, s26;
	s24 =	sadd.s32 @!p1 $0x1400, s22  }
0x77: {  	[hbm4b:s28+s25] =	stream.linear.scatter @!p1 [tilespmem:s24], [sflag:$0x1], $0x80, $0x38;
	[tilespmem:$0x9000] =	vst v63  }
0x78: {  	s24 =	sadd.s32 @!p1 $0x1800, s22;
	s28 =	sadd.s32 @!p1 $0x100, s26  }
0x79: {  	[hbm4b:s28+s25] =	stream.linear.scatter @!p1 [tilespmem:s24], [sflag:$0x1], $0x80, $0x38;
	[tilespmem:$0x9000] =	vst v63  }
0x7a: {  	s24 =	sadd.s32 @!p1 $0x1C00, s22;
	s28 =	sadd.s32 @!p1 $0x180, s26  }
0x7b: {  	[hbm4b:s28+s25] =	stream.linear.scatter @!p1 [tilespmem:s24], [sflag:$0x1], $0x80, $0x38;
	[tilespmem:$0x9000] =	vst v63  }
0x7c: {  	s24 =	sadd.s32 @!p1 $0x2000, s22;
	s28 =	sadd.s32 @!p1 $0x200, s26  }
0x7d: {  	[hbm4b:s28+s25] =	stream.linear.scatter @!p1 [tilespmem:s24], [sflag:$0x1], $0x80, $0x38;
	[tilespmem:$0x9000] =	vst v63  }
0x7e: {  	s24 =	sadd.s32 @!p1 $0x2400, s22;
	s28 =	sadd.s32 @!p1 $0x280, s26  }
0x7f: {  	[hbm4b:s28+s25] =	stream.linear.scatter @!p1 [tilespmem:s24], [sflag:$0x1], $0x80, $0x38;
	[tilespmem:$0x9000] =	vst v63  }
0x80: {  	s24 =	sadd.s32 @!p1 $0x2800, s22;
	s28 =	sadd.s32 @!p1 $0x300, s26  }
0x81: {  	[hbm4b:s28+s25] =	stream.linear.scatter @!p1 [tilespmem:s24], [sflag:$0x1], $0x80, $0x38;
	[tilespmem:$0x9000] =	vst v63  }
0x82: {  	s24 =	sadd.s32 @!p1 $0x2C00, s22;
	s28 =	sadd.s32 @!p1 $0x380, s26  }
0x83: {  	(v2sf) =	vpush v1, $0x1;
	[hbm4b:s28+s25] =	stream.linear.scatter @!p1 [tilespmem:s24], [sflag:$0x1], $0x80, $0x38;
	[tilespmem:$0x9000] =	vst v63  }
0x84: {  	s24 =	sadd.s32 @!p1 $0x3000, s22;
	s28 =	sadd.s32 @!p1 $0x400, s26  }
0x85: {  	[hbm4b:s28+s25] =	stream.linear.scatter @!p1 [tilespmem:s24], [sflag:$0x1], $0x80, $0x38;
	[tilespmem:$0x9000] =	vst v63  }
0x86: {  	s24 =	sadd.s32 @!p1 $0x3400, s22;
	s28 =	sadd.s32 @!p1 $0x480, s26  }
0x87: {  	[hbm4b:s28+s25] =	stream.linear.scatter @!p1 [tilespmem:s24], [sflag:$0x1], $0x80, $0x38;
	[tilespmem:$0x9000] =	vst v63  }
0x88: {  	s24 =	sadd.s32 @!p1 $0x3800, s22;
	s28 =	sadd.s32 @!p1 $0x500, s26  }
0x89: {  	[hbm4b:s28+s25] =	stream.linear.scatter @!p1 [tilespmem:s24], [sflag:$0x1], $0x80, $0x38;
	[tilespmem:$0x9000] =	vst v63  }
0x8a: {  	s24 =	sadd.s32 @!p1 $0x3C00, s22;
	s28 =	sadd.s32 @!p1 $0x580, s26  }
0x8b: {  	[hbm4b:s28+s25] =	stream.linear.scatter @!p1 [tilespmem:s24], [sflag:$0x1], $0x80, $0x38;
	[tilespmem:$0x9000] =	vst v63  }
0x8c: {  	s24 =	sadd.s32 @!p1 $0x4000, s22;
	s28 =	sadd.s32 @!p1 $0x600, s26  }
0x8d: {  	[hbm4b:s28+s25] =	stream.linear.scatter @!p1 [tilespmem:s24], [sflag:$0x1], $0x80, $0x38;
	[tilespmem:$0x9000] =	vst v63  }
0x8e: {  	s24 =	sadd.s32 @!p1 $0x4400, s22;
	s28 =	sadd.s32 @!p1 $0x680, s26  }
0x8f: {  	[hbm4b:s28+s25] =	stream.linear.scatter @!p1 [tilespmem:s24], [sflag:$0x1], $0x80, $0x38;
	[tilespmem:$0x9000] =	vst v63  }
0x90: {  	s24 =	sadd.s32 @!p1 $0x4800, s22;
	s28 =	sadd.s32 @!p1 $0x700, s26;
	s22 =	sadd.s32 @!p1 $0x4C00, s22  }
0x91: {  	[hbm4b:s28+s25] =	stream.linear.scatter @!p1 [tilespmem:s24], [sflag:$0x1], $0x80, $0x38;
	[tilespmem:$0x9000] =	vst v63  }
0x92: {  	s24 =	sadd.s32 @!p1 $0x780, s26;
	s26 =	sadd.s32 $0x1, s21;
	s28 =	spop (v2sf)  }
0x93: {  	[hbm4b:s24+s25] =	stream.linear.scatter @!p1 [tilespmem:s22], [sflag:$0x1], $0x80, $0x38;
	[tilespmem:$0x9000] =	vst v63  }
0x94: {  	p1 =	slt.s32 s28, $0xA;
	s22 =	smov.u32 s26  }
0x95: {  	s22 =	smov.u32 @p1 s23  }
0x96: {  	s23 =	sshll.u32 s22, $0xB;
	s29 =	sshll.u32 s22, $0x7  }
0x97: {  	s31 =	rddreg [dreg:$0x5];
	s23 =	ssub.s32 s19, s23;
	s25 =	ssub.s32 s18, s29  }
0x98: {  	s24 =	ssub.s32 s26, s22;
	s23 =	sadd.s32 $0x800, s23;
	s30 =	sadd.s32 $0x80, s25  }
0x99: {  	p1 =	sgt.s32 s24, $0xF;
	s23 =	sand.u32 $0xFFFFC000, s23;
	s24 =	sand.u32 $0x380, s30  }
0x9a: {  	s25 =	sadd.s32 s20, s31;
	s28 =	sshll.u32 @p1 s1, $0x6;
	s26 =	sor.u32 @p1 s24, s23  }
0x9b: {  	s29 =	simm.s32 @p1 $0x1;
	s28 =	sor.u32 @p1 $0x1C01, s28;
	s26 =	sshrl.u32 @p1 s26, $0x3  }
0x9c: {  	s30 =	simm.s32 @p1 $0x80;
	s23 =	sadd.s32 @!p1 s24, s23;
	s26 =	sadd.s32 @p1 s2, s26  }
0x9d: {  	[hbm:s25@s30], [sflag:s28] =	dma.strided @p1 [hbm:s26@s30], $0x100, s29, $0x10   }
0x9e: {  	s24 =	sadd.s32 @!p1 $0x1000, s23;
	s26 =	simm.s32 @!p1 $0x0  }
0x9f: {  	[hbm4b:s25+s26] =	stream.linear.scatter @!p1 [tilespmem:s24], [sflag:$0x1], $0x80, $0x38;
	[tilespmem:$0x9000] =	vst v63  }
0xa0: {  	s28 =	sadd.s32 @!p1 $0x80, s25;
	s24 =	sadd.s32 @!p1 $0x1400, s23  }
0xa1: {  	[hbm4b:s28+s26] =	stream.linear.scatter @!p1 [tilespmem:s24], [sflag:$0x1], $0x80, $0x38;
	[tilespmem:$0x9000] =	vst v63  }
0xa2: {  	s24 =	sadd.s32 @!p1 $0x1800, s23;
	s28 =	sadd.s32 @!p1 $0x100, s25  }
0xa3: {  	[hbm4b:s28+s26] =	stream.linear.scatter @!p1 [tilespmem:s24], [sflag:$0x1], $0x80, $0x38;
	[tilespmem:$0x9000] =	vst v63  }
0xa4: {  	s24 =	sadd.s32 @!p1 $0x1C00, s23;
	s28 =	sadd.s32 @!p1 $0x180, s25  }
0xa5: {  	[hbm4b:s28+s26] =	stream.linear.scatter @!p1 [tilespmem:s24], [sflag:$0x1], $0x80, $0x38;
	[tilespmem:$0x9000] =	vst v63  }
0xa6: {  	s24 =	sadd.s32 @!p1 $0x2000, s23;
	s28 =	sadd.s32 @!p1 $0x200, s25  }
0xa7: {  	[hbm4b:s28+s26] =	stream.linear.scatter @!p1 [tilespmem:s24], [sflag:$0x1], $0x80, $0x38;
	[tilespmem:$0x9000] =	vst v63  }
0xa8: {  	s24 =	sadd.s32 @!p1 $0x2400, s23;
	s28 =	sadd.s32 @!p1 $0x280, s25  }
0xa9: {  	[hbm4b:s28+s26] =	stream.linear.scatter @!p1 [tilespmem:s24], [sflag:$0x1], $0x80, $0x38;
	[tilespmem:$0x9000] =	vst v63  }
0xaa: {  	s24 =	sadd.s32 @!p1 $0x2800, s23;
	s28 =	sadd.s32 @!p1 $0x300, s25  }
0xab: {  	[hbm4b:s28+s26] =	stream.linear.scatter @!p1 [tilespmem:s24], [sflag:$0x1], $0x80, $0x38;
	[tilespmem:$0x9000] =	vst v63  }
0xac: {  	s24 =	sadd.s32 @!p1 $0x2C00, s23;
	s28 =	sadd.s32 @!p1 $0x380, s25  }
0xad: {  	[hbm4b:s28+s26] =	stream.linear.scatter @!p1 [tilespmem:s24], [sflag:$0x1], $0x80, $0x38;
	[tilespmem:$0x9000] =	vst v63  }
0xae: {  	s24 =	sadd.s32 @!p1 $0x3000, s23;
	s28 =	sadd.s32 @!p1 $0x400, s25  }
0xaf: {  	(v2sf) =	vpush v1, $0x2;
	[hbm4b:s28+s26] =	stream.linear.scatter @!p1 [tilespmem:s24], [sflag:$0x1], $0x80, $0x38;
	[tilespmem:$0x9000] =	vst v63  }
0xb0: {  	s24 =	sadd.s32 @!p1 $0x3400, s23;
	s28 =	sadd.s32 @!p1 $0x480, s25  }
0xb1: {  	[hbm4b:s28+s26] =	stream.linear.scatter @!p1 [tilespmem:s24], [sflag:$0x1], $0x80, $0x38;
	[tilespmem:$0x9000] =	vst v63  }
0xb2: {  	s24 =	sadd.s32 @!p1 $0x3800, s23;
	s28 =	sadd.s32 @!p1 $0x500, s25  }
0xb3: {  	[hbm4b:s28+s26] =	stream.linear.scatter @!p1 [tilespmem:s24], [sflag:$0x1], $0x80, $0x38;
	[tilespmem:$0x9000] =	vst v63  }
0xb4: {  	s24 =	sadd.s32 @!p1 $0x3C00, s23;
	s28 =	sadd.s32 @!p1 $0x580, s25  }
0xb5: {  	[hbm4b:s28+s26] =	stream.linear.scatter @!p1 [tilespmem:s24], [sflag:$0x1], $0x80, $0x38;
	[tilespmem:$0x9000] =	vst v63  }
0xb6: {  	s24 =	sadd.s32 @!p1 $0x4000, s23;
	s28 =	sadd.s32 @!p1 $0x600, s25  }
0xb7: {  	[hbm4b:s28+s26] =	stream.linear.scatter @!p1 [tilespmem:s24], [sflag:$0x1], $0x80, $0x38;
	[tilespmem:$0x9000] =	vst v63  }
0xb8: {  	s24 =	sadd.s32 @!p1 $0x4400, s23;
	s28 =	sadd.s32 @!p1 $0x680, s25  }
0xb9: {  	[hbm4b:s28+s26] =	stream.linear.scatter @!p1 [tilespmem:s24], [sflag:$0x1], $0x80, $0x38;
	[tilespmem:$0x9000] =	vst v63  }
0xba: {  	s24 =	sadd.s32 @!p1 $0x4800, s23;
	s28 =	sadd.s32 @!p1 $0x700, s25  }
0xbb: {  	[hbm4b:s28+s26] =	stream.linear.scatter @!p1 [tilespmem:s24], [sflag:$0x1], $0x80, $0x38;
	[tilespmem:$0x9000] =	vst v63  }
0xbc: {  	s23 =	sadd.s32 @!p1 $0x4C00, s23;
	s24 =	sadd.s32 @!p1 $0x780, s25  }
0xbd: {  	[hbm4b:s24+s26] =	stream.linear.scatter @!p1 [tilespmem:s23], [sflag:$0x1], $0x80, $0x38;
	[tilespmem:$0x9000] =	vst v63  }
0xbe: {  	s28 =	spop (v2sf);
	s26 =	sadd.s32 $0x2, s21  }
0xbf: {  	p1 =	slt.s32 s28, $0xA;
	s23 =	smov.u32 s26  }
0xc0: {  	s23 =	smov.u32 @p1 s22  }
0xc1: {  	s22 =	sshll.u32 s23, $0xB;
	s29 =	sshll.u32 s23, $0x7  }
0xc2: {  	s31 =	rddreg [dreg:$0x6];
	s22 =	ssub.s32 s19, s22;
	s25 =	ssub.s32 s18, s29  }
0xc3: {  	s24 =	ssub.s32 s26, s23;
	s22 =	sadd.s32 $0x1000, s22;
	s30 =	sadd.s32 $0x100, s25  }
0xc4: {  	p1 =	sgt.s32 s24, $0xF;
	s22 =	sand.u32 $0xFFFFC000, s22;
	s24 =	sand.u32 $0x380, s30  }
0xc5: {  	s25 =	sadd.s32 s20, s31;
	s28 =	sshll.u32 @p1 s1, $0x6;
	s26 =	sor.u32 @p1 s24, s22  }
0xc6: {  	s29 =	simm.s32 @p1 $0x1;
	s28 =	sor.u32 @p1 $0x1C01, s28;
	s26 =	sshrl.u32 @p1 s26, $0x3  }
0xc7: {  	s30 =	simm.s32 @p1 $0x80;
	s22 =	sadd.s32 @!p1 s24, s22;
	s26 =	sadd.s32 @p1 s2, s26  }
0xc8: {  	[hbm:s25@s30], [sflag:s28] =	dma.strided @p1 [hbm:s26@s30], $0x100, s29, $0x10   }
0xc9: {  	s24 =	sadd.s32 @!p1 $0x1000, s22;
	s26 =	simm.s32 @!p1 $0x0  }
0xca: {  	[hbm4b:s25+s26] =	stream.linear.scatter @!p1 [tilespmem:s24], [sflag:$0x1], $0x80, $0x38;
	[tilespmem:$0x9000] =	vst v63  }
0xcb: {  	s28 =	sadd.s32 @!p1 $0x80, s25;
	s24 =	sadd.s32 @!p1 $0x1400, s22  }
0xcc: {  	[hbm4b:s28+s26] =	stream.linear.scatter @!p1 [tilespmem:s24], [sflag:$0x1], $0x80, $0x38;
	[tilespmem:$0x9000] =	vst v63  }
0xcd: {  	s24 =	sadd.s32 @!p1 $0x1800, s22;
	s28 =	sadd.s32 @!p1 $0x100, s25  }
0xce: {  	[hbm4b:s28+s26] =	stream.linear.scatter @!p1 [tilespmem:s24], [sflag:$0x1], $0x80, $0x38;
	[tilespmem:$0x9000] =	vst v63  }
0xcf: {  	s24 =	sadd.s32 @!p1 $0x1C00, s22;
	s28 =	sadd.s32 @!p1 $0x180, s25  }
0xd0: {  	[hbm4b:s28+s26] =	stream.linear.scatter @!p1 [tilespmem:s24], [sflag:$0x1], $0x80, $0x38;
	[tilespmem:$0x9000] =	vst v63  }
0xd1: {  	s24 =	sadd.s32 @!p1 $0x2000, s22;
	s28 =	sadd.s32 @!p1 $0x200, s25  }
0xd2: {  	[hbm4b:s28+s26] =	stream.linear.scatter @!p1 [tilespmem:s24], [sflag:$0x1], $0x80, $0x38;
	[tilespmem:$0x9000] =	vst v63  }
0xd3: {  	s24 =	sadd.s32 @!p1 $0x2400, s22;
	s28 =	sadd.s32 @!p1 $0x280, s25  }
0xd4: {  	[hbm4b:s28+s26] =	stream.linear.scatter @!p1 [tilespmem:s24], [sflag:$0x1], $0x80, $0x38;
	[tilespmem:$0x9000] =	vst v63  }
0xd5: {  	s24 =	sadd.s32 @!p1 $0x2800, s22;
	s28 =	sadd.s32 @!p1 $0x300, s25  }
0xd6: {  	[hbm4b:s28+s26] =	stream.linear.scatter @!p1 [tilespmem:s24], [sflag:$0x1], $0x80, $0x38;
	[tilespmem:$0x9000] =	vst v63  }
0xd7: {  	s24 =	sadd.s32 @!p1 $0x2C00, s22;
	s28 =	sadd.s32 @!p1 $0x380, s25  }
0xd8: {  	[hbm4b:s28+s26] =	stream.linear.scatter @!p1 [tilespmem:s24], [sflag:$0x1], $0x80, $0x38;
	[tilespmem:$0x9000] =	vst v63  }
0xd9: {  	s24 =	sadd.s32 @!p1 $0x3000, s22;
	s28 =	sadd.s32 @!p1 $0x400, s25  }
0xda: {  	(v2sf) =	vpush v1, $0x3;
	[hbm4b:s28+s26] =	stream.linear.scatter @!p1 [tilespmem:s24], [sflag:$0x1], $0x80, $0x38;
	[tilespmem:$0x9000] =	vst v63  }
0xdb: {  	s24 =	sadd.s32 @!p1 $0x3400, s22;
	s28 =	sadd.s32 @!p1 $0x480, s25  }
0xdc: {  	[hbm4b:s28+s26] =	stream.linear.scatter @!p1 [tilespmem:s24], [sflag:$0x1], $0x80, $0x38;
	[tilespmem:$0x9000] =	vst v63  }
0xdd: {  	s24 =	sadd.s32 @!p1 $0x3800, s22;
	s28 =	sadd.s32 @!p1 $0x500, s25  }
0xde: {  	[hbm4b:s28+s26] =	stream.linear.scatter @!p1 [tilespmem:s24], [sflag:$0x1], $0x80, $0x38;
	[tilespmem:$0x9000] =	vst v63  }
0xdf: {  	s24 =	sadd.s32 @!p1 $0x3C00, s22;
	s28 =	sadd.s32 @!p1 $0x580, s25  }
0xe0: {  	[hbm4b:s28+s26] =	stream.linear.scatter @!p1 [tilespmem:s24], [sflag:$0x1], $0x80, $0x38;
	[tilespmem:$0x9000] =	vst v63  }
0xe1: {  	s24 =	sadd.s32 @!p1 $0x4000, s22;
	s28 =	sadd.s32 @!p1 $0x600, s25  }
0xe2: {  	[hbm4b:s28+s26] =	stream.linear.scatter @!p1 [tilespmem:s24], [sflag:$0x1], $0x80, $0x38;
	[tilespmem:$0x9000] =	vst v63  }
0xe3: {  	s24 =	sadd.s32 @!p1 $0x4400, s22;
	s28 =	sadd.s32 @!p1 $0x680, s25  }
0xe4: {  	[hbm4b:s28+s26] =	stream.linear.scatter @!p1 [tilespmem:s24], [sflag:$0x1], $0x80, $0x38;
	[tilespmem:$0x9000] =	vst v63  }
0xe5: {  	s24 =	sadd.s32 @!p1 $0x4800, s22;
	s28 =	sadd.s32 @!p1 $0x700, s25  }
0xe6: {  	[hbm4b:s28+s26] =	stream.linear.scatter @!p1 [tilespmem:s24], [sflag:$0x1], $0x80, $0x38;
	[tilespmem:$0x9000] =	vst v63  }
0xe7: {  	s22 =	sadd.s32 @!p1 $0x4C00, s22;
	s24 =	sadd.s32 @!p1 $0x780, s25  }
0xe8: {  	[hbm4b:s24+s26] =	stream.linear.scatter @!p1 [tilespmem:s22], [sflag:$0x1], $0x80, $0x38;
	[tilespmem:$0x9000] =	vst v63  }
0xe9: {  	s28 =	spop (v2sf);
	s26 =	sadd.s32 $0x3, s21  }
0xea: {  	p1 =	slt.s32 s28, $0xA;
	s22 =	smov.u32 s26  }
0xeb: {  	s22 =	smov.u32 @p1 s23  }
0xec: {  	s23 =	sshll.u32 s22, $0xB;
	s29 =	sshll.u32 s22, $0x7  }
0xed: {  	s31 =	rddreg [dreg:$0x7];
	s23 =	ssub.s32 s19, s23;
	s25 =	ssub.s32 s18, s29  }
0xee: {  	s24 =	ssub.s32 s26, s22;
	s23 =	sadd.s32 $0x1800, s23;
	s30 =	sadd.s32 $0x180, s25  }
0xef: {  	p1 =	sgt.s32 s24, $0xF;
	s23 =	sand.u32 $0xFFFFC000, s23;
	s24 =	sand.u32 $0x380, s30  }
0xf0: {  	s25 =	sadd.s32 s20, s31;
	s28 =	sshll.u32 @p1 s1, $0x6;
	s26 =	sor.u32 @p1 s24, s23  }
0xf1: {  	s29 =	simm.s32 @p1 $0x1;
	s28 =	sor.u32 @p1 $0x1C01, s28;
	s26 =	sshrl.u32 @p1 s26, $0x3  }
0xf2: {  	s30 =	simm.s32 @p1 $0x80;
	s23 =	sadd.s32 @!p1 s24, s23;
	s26 =	sadd.s32 @p1 s2, s26  }
0xf3: {  	[hbm:s25@s30], [sflag:s28] =	dma.strided @p1 [hbm:s26@s30], $0x100, s29, $0x10   }
0xf4: {  	s24 =	sadd.s32 @!p1 $0x1000, s23;
	s26 =	simm.s32 @!p1 $0x0  }
0xf5: {  	[hbm4b:s25+s26] =	stream.linear.scatter @!p1 [tilespmem:s24], [sflag:$0x1], $0x80, $0x38;
	[tilespmem:$0x9000] =	vst v63  }
0xf6: {  	s28 =	sadd.s32 @!p1 $0x80, s25;
	s24 =	sadd.s32 @!p1 $0x1400, s23  }
0xf7: {  	[hbm4b:s28+s26] =	stream.linear.scatter @!p1 [tilespmem:s24], [sflag:$0x1], $0x80, $0x38;
	[tilespmem:$0x9000] =	vst v63  }
0xf8: {  	s24 =	sadd.s32 @!p1 $0x1800, s23;
	s28 =	sadd.s32 @!p1 $0x100, s25  }
0xf9: {  	[hbm4b:s28+s26] =	stream.linear.scatter @!p1 [tilespmem:s24], [sflag:$0x1], $0x80, $0x38;
	[tilespmem:$0x9000] =	vst v63  }
0xfa: {  	s24 =	sadd.s32 @!p1 $0x1C00, s23;
	s28 =	sadd.s32 @!p1 $0x180, s25  }
0xfb: {  	[hbm4b:s28+s26] =	stream.linear.scatter @!p1 [tilespmem:s24], [sflag:$0x1], $0x80, $0x38;
	[tilespmem:$0x9000] =	vst v63  }
0xfc: {  	s24 =	sadd.s32 @!p1 $0x2000, s23;
	s28 =	sadd.s32 @!p1 $0x200, s25  }
0xfd: {  	[hbm4b:s28+s26] =	stream.linear.scatter @!p1 [tilespmem:s24], [sflag:$0x1], $0x80, $0x38;
	[tilespmem:$0x9000] =	vst v63  }
0xfe: {  	s24 =	sadd.s32 @!p1 $0x2400, s23;
	s28 =	sadd.s32 @!p1 $0x280, s25  }
0xff: {  	[hbm4b:s28+s26] =	stream.linear.scatter @!p1 [tilespmem:s24], [sflag:$0x1], $0x80, $0x38;
	[tilespmem:$0x9000] =	vst v63  }
0x100: {  	s24 =	sadd.s32 @!p1 $0x2800, s23;
	s28 =	sadd.s32 @!p1 $0x300, s25  }
0x101: {  	[hbm4b:s28+s26] =	stream.linear.scatter @!p1 [tilespmem:s24], [sflag:$0x1], $0x80, $0x38;
	[tilespmem:$0x9000] =	vst v63  }
0x102: {  	s24 =	sadd.s32 @!p1 $0x2C00, s23;
	s28 =	sadd.s32 @!p1 $0x380, s25  }
0x103: {  	[hbm4b:s28+s26] =	stream.linear.scatter @!p1 [tilespmem:s24], [sflag:$0x1], $0x80, $0x38;
	[tilespmem:$0x9000] =	vst v63  }
0x104: {  	s24 =	sadd.s32 @!p1 $0x3000, s23;
	s28 =	sadd.s32 @!p1 $0x400, s25  }
0x105: {  	(v2sf) =	vpush v1, $0x4;
	[hbm4b:s28+s26] =	stream.linear.scatter @!p1 [tilespmem:s24], [sflag:$0x1], $0x80, $0x38;
	[tilespmem:$0x9000] =	vst v63  }
0x106: {  	s24 =	sadd.s32 @!p1 $0x3400, s23;
	s28 =	sadd.s32 @!p1 $0x480, s25  }
0x107: {  	[hbm4b:s28+s26] =	stream.linear.scatter @!p1 [tilespmem:s24], [sflag:$0x1], $0x80, $0x38;
	[tilespmem:$0x9000] =	vst v63  }
0x108: {  	s24 =	sadd.s32 @!p1 $0x3800, s23;
	s28 =	sadd.s32 @!p1 $0x500, s25  }
0x109: {  	[hbm4b:s28+s26] =	stream.linear.scatter @!p1 [tilespmem:s24], [sflag:$0x1], $0x80, $0x38;
	[tilespmem:$0x9000] =	vst v63  }
0x10a: {  	s24 =	sadd.s32 @!p1 $0x3C00, s23;
	s28 =	sadd.s32 @!p1 $0x580, s25  }
0x10b: {  	[hbm4b:s28+s26] =	stream.linear.scatter @!p1 [tilespmem:s24], [sflag:$0x1], $0x80, $0x38;
	[tilespmem:$0x9000] =	vst v63  }
0x10c: {  	s24 =	sadd.s32 @!p1 $0x4000, s23;
	s28 =	sadd.s32 @!p1 $0x600, s25  }
0x10d: {  	[hbm4b:s28+s26] =	stream.linear.scatter @!p1 [tilespmem:s24], [sflag:$0x1], $0x80, $0x38;
	[tilespmem:$0x9000] =	vst v63  }
0x10e: {  	s24 =	sadd.s32 @!p1 $0x4400, s23;
	s28 =	sadd.s32 @!p1 $0x680, s25  }
0x10f: {  	[hbm4b:s28+s26] =	stream.linear.scatter @!p1 [tilespmem:s24], [sflag:$0x1], $0x80, $0x38;
	[tilespmem:$0x9000] =	vst v63  }
0x110: {  	s24 =	sadd.s32 @!p1 $0x4800, s23;
	s28 =	sadd.s32 @!p1 $0x700, s25  }
0x111: {  	[hbm4b:s28+s26] =	stream.linear.scatter @!p1 [tilespmem:s24], [sflag:$0x1], $0x80, $0x38;
	[tilespmem:$0x9000] =	vst v63  }
0x112: {  	s23 =	sadd.s32 @!p1 $0x4C00, s23;
	s24 =	sadd.s32 @!p1 $0x780, s25  }
0x113: {  	[hbm4b:s24+s26] =	stream.linear.scatter @!p1 [tilespmem:s23], [sflag:$0x1], $0x80, $0x38;
	[tilespmem:$0x9000] =	vst v63  }
0x114: {  	s28 =	spop (v2sf);
	s26 =	sadd.s32 $0x4, s21  }
0x115: {  	p1 =	slt.s32 s28, $0xA;
	s23 =	smov.u32 s26  }
0x116: {  	s23 =	smov.u32 @p1 s22  }
0x117: {  	s22 =	sshll.u32 s23, $0xB;
	s29 =	sshll.u32 s23, $0x7  }
0x118: {  	s31 =	rddreg [dreg:$0x8];
	s22 =	ssub.s32 s19, s22;
	s25 =	ssub.s32 s18, s29  }
0x119: {  	s24 =	ssub.s32 s26, s23;
	s22 =	sadd.s32 $0x2000, s22;
	s30 =	sadd.s32 $0x200, s25  }
0x11a: {  	p1 =	sgt.s32 s24, $0xF;
	s22 =	sand.u32 $0xFFFFC000, s22;
	s24 =	sand.u32 $0x380, s30  }
0x11b: {  	s25 =	sadd.s32 s20, s31;
	s28 =	sshll.u32 @p1 s1, $0x6;
	s26 =	sor.u32 @p1 s24, s22  }
0x11c: {  	s29 =	simm.s32 @p1 $0x1;
	s28 =	sor.u32 @p1 $0x1C01, s28;
	s26 =	sshrl.u32 @p1 s26, $0x3  }
0x11d: {  	s30 =	simm.s32 @p1 $0x80;
	s22 =	sadd.s32 @!p1 s24, s22;
	s26 =	sadd.s32 @p1 s2, s26  }
0x11e: {  	[hbm:s25@s30], [sflag:s28] =	dma.strided @p1 [hbm:s26@s30], $0x100, s29, $0x10   }
0x11f: {  	s24 =	sadd.s32 @!p1 $0x1000, s22;
	s26 =	simm.s32 @!p1 $0x0  }
0x120: {  	[hbm4b:s25+s26] =	stream.linear.scatter @!p1 [tilespmem:s24], [sflag:$0x1], $0x80, $0x38;
	[tilespmem:$0x9000] =	vst v63  }
0x121: {  	s28 =	sadd.s32 @!p1 $0x80, s25;
	s24 =	sadd.s32 @!p1 $0x1400, s22  }
0x122: {  	[hbm4b:s28+s26] =	stream.linear.scatter @!p1 [tilespmem:s24], [sflag:$0x1], $0x80, $0x38;
	[tilespmem:$0x9000] =	vst v63  }
0x123: {  	s24 =	sadd.s32 @!p1 $0x1800, s22;
	s28 =	sadd.s32 @!p1 $0x100, s25  }
0x124: {  	[hbm4b:s28+s26] =	stream.linear.scatter @!p1 [tilespmem:s24], [sflag:$0x1], $0x80, $0x38;
	[tilespmem:$0x9000] =	vst v63  }
0x125: {  	s24 =	sadd.s32 @!p1 $0x1C00, s22;
	s28 =	sadd.s32 @!p1 $0x180, s25  }
0x126: {  	[hbm4b:s28+s26] =	stream.linear.scatter @!p1 [tilespmem:s24], [sflag:$0x1], $0x80, $0x38;
	[tilespmem:$0x9000] =	vst v63  }
0x127: {  	s24 =	sadd.s32 @!p1 $0x2000, s22;
	s28 =	sadd.s32 @!p1 $0x200, s25  }
0x128: {  	[hbm4b:s28+s26] =	stream.linear.scatter @!p1 [tilespmem:s24], [sflag:$0x1], $0x80, $0x38;
	[tilespmem:$0x9000] =	vst v63  }
0x129: {  	s24 =	sadd.s32 @!p1 $0x2400, s22;
	s28 =	sadd.s32 @!p1 $0x280, s25  }
0x12a: {  	[hbm4b:s28+s26] =	stream.linear.scatter @!p1 [tilespmem:s24], [sflag:$0x1], $0x80, $0x38;
	[tilespmem:$0x9000] =	vst v63  }
0x12b: {  	s24 =	sadd.s32 @!p1 $0x2800, s22;
	s28 =	sadd.s32 @!p1 $0x300, s25  }
0x12c: {  	[hbm4b:s28+s26] =	stream.linear.scatter @!p1 [tilespmem:s24], [sflag:$0x1], $0x80, $0x38;
	[tilespmem:$0x9000] =	vst v63  }
0x12d: {  	s24 =	sadd.s32 @!p1 $0x2C00, s22;
	s28 =	sadd.s32 @!p1 $0x380, s25  }
0x12e: {  	[hbm4b:s28+s26] =	stream.linear.scatter @!p1 [tilespmem:s24], [sflag:$0x1], $0x80, $0x38;
	[tilespmem:$0x9000] =	vst v63  }
0x12f: {  	s24 =	sadd.s32 @!p1 $0x3000, s22;
	s28 =	sadd.s32 @!p1 $0x400, s25  }
0x130: {  	(v2sf) =	vpush v1, $0x5;
	[hbm4b:s28+s26] =	stream.linear.scatter @!p1 [tilespmem:s24], [sflag:$0x1], $0x80, $0x38;
	[tilespmem:$0x9000] =	vst v63  }
0x131: {  	s24 =	sadd.s32 @!p1 $0x3400, s22;
	s28 =	sadd.s32 @!p1 $0x480, s25  }
0x132: {  	[hbm4b:s28+s26] =	stream.linear.scatter @!p1 [tilespmem:s24], [sflag:$0x1], $0x80, $0x38;
	[tilespmem:$0x9000] =	vst v63  }
0x133: {  	s24 =	sadd.s32 @!p1 $0x3800, s22;
	s28 =	sadd.s32 @!p1 $0x500, s25  }
0x134: {  	[hbm4b:s28+s26] =	stream.linear.scatter @!p1 [tilespmem:s24], [sflag:$0x1], $0x80, $0x38;
	[tilespmem:$0x9000] =	vst v63  }
0x135: {  	s24 =	sadd.s32 @!p1 $0x3C00, s22;
	s28 =	sadd.s32 @!p1 $0x580, s25  }
0x136: {  	[hbm4b:s28+s26] =	stream.linear.scatter @!p1 [tilespmem:s24], [sflag:$0x1], $0x80, $0x38;
	[tilespmem:$0x9000] =	vst v63  }
0x137: {  	s24 =	sadd.s32 @!p1 $0x4000, s22;
	s28 =	sadd.s32 @!p1 $0x600, s25  }
0x138: {  	[hbm4b:s28+s26] =	stream.linear.scatter @!p1 [tilespmem:s24], [sflag:$0x1], $0x80, $0x38;
	[tilespmem:$0x9000] =	vst v63  }
0x139: {  	s24 =	sadd.s32 @!p1 $0x4400, s22;
	s28 =	sadd.s32 @!p1 $0x680, s25  }
0x13a: {  	[hbm4b:s28+s26] =	stream.linear.scatter @!p1 [tilespmem:s24], [sflag:$0x1], $0x80, $0x38;
	[tilespmem:$0x9000] =	vst v63  }
0x13b: {  	s24 =	sadd.s32 @!p1 $0x4800, s22;
	s28 =	sadd.s32 @!p1 $0x700, s25  }
0x13c: {  	[hbm4b:s28+s26] =	stream.linear.scatter @!p1 [tilespmem:s24], [sflag:$0x1], $0x80, $0x38;
	[tilespmem:$0x9000] =	vst v63  }
0x13d: {  	s22 =	sadd.s32 @!p1 $0x4C00, s22;
	s24 =	sadd.s32 @!p1 $0x780, s25  }
0x13e: {  	[hbm4b:s24+s26] =	stream.linear.scatter @!p1 [tilespmem:s22], [sflag:$0x1], $0x80, $0x38;
	[tilespmem:$0x9000] =	vst v63  }
0x13f: {  	s28 =	spop (v2sf);
	s26 =	sadd.s32 $0x5, s21  }
0x140: {  	p1 =	slt.s32 s28, $0xA;
	s22 =	smov.u32 s26  }
0x141: {  	s22 =	smov.u32 @p1 s23  }
0x142: {  	s23 =	sshll.u32 s22, $0xB;
	s29 =	sshll.u32 s22, $0x7  }
0x143: {  	s31 =	rddreg [dreg:$0x9];
	s23 =	ssub.s32 s19, s23;
	s25 =	ssub.s32 s18, s29  }
0x144: {  	s24 =	ssub.s32 s26, s22;
	s23 =	sadd.s32 $0x2800, s23;
	s30 =	sadd.s32 $0x280, s25  }
0x145: {  	p1 =	sgt.s32 s24, $0xF;
	s23 =	sand.u32 $0xFFFFC000, s23;
	s24 =	sand.u32 $0x380, s30  }
0x146: {  	s25 =	sadd.s32 s20, s31;
	s28 =	sshll.u32 @p1 s1, $0x6;
	s26 =	sor.u32 @p1 s24, s23  }
0x147: {  	s29 =	simm.s32 @p1 $0x1;
	s28 =	sor.u32 @p1 $0x1C01, s28;
	s26 =	sshrl.u32 @p1 s26, $0x3  }
0x148: {  	s30 =	simm.s32 @p1 $0x80;
	s23 =	sadd.s32 @!p1 s24, s23;
	s26 =	sadd.s32 @p1 s2, s26  }
0x149: {  	[hbm:s25@s30], [sflag:s28] =	dma.strided @p1 [hbm:s26@s30], $0x100, s29, $0x10   }
0x14a: {  	s24 =	sadd.s32 @!p1 $0x1000, s23;
	s26 =	simm.s32 @!p1 $0x0  }
0x14b: {  	[hbm4b:s25+s26] =	stream.linear.scatter @!p1 [tilespmem:s24], [sflag:$0x1], $0x80, $0x38;
	[tilespmem:$0x9000] =	vst v63  }
0x14c: {  	s28 =	sadd.s32 @!p1 $0x80, s25;
	s24 =	sadd.s32 @!p1 $0x1400, s23  }
0x14d: {  	[hbm4b:s28+s26] =	stream.linear.scatter @!p1 [tilespmem:s24], [sflag:$0x1], $0x80, $0x38;
	[tilespmem:$0x9000] =	vst v63  }
0x14e: {  	s24 =	sadd.s32 @!p1 $0x1800, s23;
	s28 =	sadd.s32 @!p1 $0x100, s25  }
0x14f: {  	[hbm4b:s28+s26] =	stream.linear.scatter @!p1 [tilespmem:s24], [sflag:$0x1], $0x80, $0x38;
	[tilespmem:$0x9000] =	vst v63  }
0x150: {  	s24 =	sadd.s32 @!p1 $0x1C00, s23;
	s28 =	sadd.s32 @!p1 $0x180, s25  }
0x151: {  	[hbm4b:s28+s26] =	stream.linear.scatter @!p1 [tilespmem:s24], [sflag:$0x1], $0x80, $0x38;
	[tilespmem:$0x9000] =	vst v63  }
0x152: {  	s24 =	sadd.s32 @!p1 $0x2000, s23;
	s28 =	sadd.s32 @!p1 $0x200, s25  }
0x153: {  	[hbm4b:s28+s26] =	stream.linear.scatter @!p1 [tilespmem:s24], [sflag:$0x1], $0x80, $0x38;
	[tilespmem:$0x9000] =	vst v63  }
0x154: {  	s24 =	sadd.s32 @!p1 $0x2400, s23;
	s28 =	sadd.s32 @!p1 $0x280, s25  }
0x155: {  	[hbm4b:s28+s26] =	stream.linear.scatter @!p1 [tilespmem:s24], [sflag:$0x1], $0x80, $0x38;
	[tilespmem:$0x9000] =	vst v63  }
0x156: {  	s24 =	sadd.s32 @!p1 $0x2800, s23;
	s28 =	sadd.s32 @!p1 $0x300, s25  }
0x157: {  	[hbm4b:s28+s26] =	stream.linear.scatter @!p1 [tilespmem:s24], [sflag:$0x1], $0x80, $0x38;
	[tilespmem:$0x9000] =	vst v63  }
0x158: {  	s24 =	sadd.s32 @!p1 $0x2C00, s23;
	s28 =	sadd.s32 @!p1 $0x380, s25  }
0x159: {  	[hbm4b:s28+s26] =	stream.linear.scatter @!p1 [tilespmem:s24], [sflag:$0x1], $0x80, $0x38;
	[tilespmem:$0x9000] =	vst v63  }
0x15a: {  	s24 =	sadd.s32 @!p1 $0x3000, s23;
	s28 =	sadd.s32 @!p1 $0x400, s25  }
0x15b: {  	(v2sf) =	vpush v1, $0x6;
	[hbm4b:s28+s26] =	stream.linear.scatter @!p1 [tilespmem:s24], [sflag:$0x1], $0x80, $0x38;
	[tilespmem:$0x9000] =	vst v63  }
0x15c: {  	s24 =	sadd.s32 @!p1 $0x3400, s23;
	s28 =	sadd.s32 @!p1 $0x480, s25  }
0x15d: {  	[hbm4b:s28+s26] =	stream.linear.scatter @!p1 [tilespmem:s24], [sflag:$0x1], $0x80, $0x38;
	[tilespmem:$0x9000] =	vst v63  }
0x15e: {  	s24 =	sadd.s32 @!p1 $0x3800, s23;
	s28 =	sadd.s32 @!p1 $0x500, s25  }
0x15f: {  	[hbm4b:s28+s26] =	stream.linear.scatter @!p1 [tilespmem:s24], [sflag:$0x1], $0x80, $0x38;
	[tilespmem:$0x9000] =	vst v63  }
0x160: {  	s24 =	sadd.s32 @!p1 $0x3C00, s23;
	s28 =	sadd.s32 @!p1 $0x580, s25  }
0x161: {  	[hbm4b:s28+s26] =	stream.linear.scatter @!p1 [tilespmem:s24], [sflag:$0x1], $0x80, $0x38;
	[tilespmem:$0x9000] =	vst v63  }
0x162: {  	s24 =	sadd.s32 @!p1 $0x4000, s23;
	s28 =	sadd.s32 @!p1 $0x600, s25  }
0x163: {  	[hbm4b:s28+s26] =	stream.linear.scatter @!p1 [tilespmem:s24], [sflag:$0x1], $0x80, $0x38;
	[tilespmem:$0x9000] =	vst v63  }
0x164: {  	s24 =	sadd.s32 @!p1 $0x4400, s23;
	s28 =	sadd.s32 @!p1 $0x680, s25  }
0x165: {  	[hbm4b:s28+s26] =	stream.linear.scatter @!p1 [tilespmem:s24], [sflag:$0x1], $0x80, $0x38;
	[tilespmem:$0x9000] =	vst v63  }
0x166: {  	s24 =	sadd.s32 @!p1 $0x4800, s23;
	s28 =	sadd.s32 @!p1 $0x700, s25  }
0x167: {  	[hbm4b:s28+s26] =	stream.linear.scatter @!p1 [tilespmem:s24], [sflag:$0x1], $0x80, $0x38;
	[tilespmem:$0x9000] =	vst v63  }
0x168: {  	s23 =	sadd.s32 @!p1 $0x4C00, s23;
	s24 =	sadd.s32 @!p1 $0x780, s25  }
0x169: {  	[hbm4b:s24+s26] =	stream.linear.scatter @!p1 [tilespmem:s23], [sflag:$0x1], $0x80, $0x38;
	[tilespmem:$0x9000] =	vst v63  }
0x16a: {  	s28 =	spop (v2sf);
	s26 =	sadd.s32 $0x6, s21  }
0x16b: {  	p1 =	slt.s32 s28, $0xA;
	s23 =	smov.u32 s26  }
0x16c: {  	s23 =	smov.u32 @p1 s22  }
0x16d: {  	s22 =	sshll.u32 s23, $0xB;
	s29 =	sshll.u32 s23, $0x7  }
0x16e: {  	s31 =	rddreg [dreg:$0xa];
	s22 =	ssub.s32 s19, s22;
	s25 =	ssub.s32 s18, s29  }
0x16f: {  	s24 =	ssub.s32 s26, s23;
	s22 =	sadd.s32 $0x3000, s22;
	s30 =	sadd.s32 $0x300, s25  }
0x170: {  	p1 =	sgt.s32 s24, $0xF;
	s22 =	sand.u32 $0xFFFFC000, s22;
	s24 =	sand.u32 $0x380, s30  }
0x171: {  	s25 =	sadd.s32 s20, s31;
	s28 =	sshll.u32 @p1 s1, $0x6;
	s26 =	sor.u32 @p1 s24, s22  }
0x172: {  	s29 =	simm.s32 @p1 $0x1;
	s28 =	sor.u32 @p1 $0x1C01, s28;
	s26 =	sshrl.u32 @p1 s26, $0x3  }
0x173: {  	s30 =	simm.s32 @p1 $0x80;
	s22 =	sadd.s32 @!p1 s24, s22;
	s26 =	sadd.s32 @p1 s2, s26  }
0x174: {  	[hbm:s25@s30], [sflag:s28] =	dma.strided @p1 [hbm:s26@s30], $0x100, s29, $0x10   }
0x175: {  	s24 =	sadd.s32 @!p1 $0x1000, s22;
	s26 =	simm.s32 @!p1 $0x0  }
0x176: {  	[hbm4b:s25+s26] =	stream.linear.scatter @!p1 [tilespmem:s24], [sflag:$0x1], $0x80, $0x38;
	[tilespmem:$0x9000] =	vst v63  }
0x177: {  	s28 =	sadd.s32 @!p1 $0x80, s25;
	s24 =	sadd.s32 @!p1 $0x1400, s22  }
0x178: {  	[hbm4b:s28+s26] =	stream.linear.scatter @!p1 [tilespmem:s24], [sflag:$0x1], $0x80, $0x38;
	[tilespmem:$0x9000] =	vst v63  }
0x179: {  	s24 =	sadd.s32 @!p1 $0x1800, s22;
	s28 =	sadd.s32 @!p1 $0x100, s25  }
0x17a: {  	[hbm4b:s28+s26] =	stream.linear.scatter @!p1 [tilespmem:s24], [sflag:$0x1], $0x80, $0x38;
	[tilespmem:$0x9000] =	vst v63  }
0x17b: {  	s24 =	sadd.s32 @!p1 $0x1C00, s22;
	s28 =	sadd.s32 @!p1 $0x180, s25  }
0x17c: {  	[hbm4b:s28+s26] =	stream.linear.scatter @!p1 [tilespmem:s24], [sflag:$0x1], $0x80, $0x38;
	[tilespmem:$0x9000] =	vst v63  }
0x17d: {  	s24 =	sadd.s32 @!p1 $0x2000, s22;
	s28 =	sadd.s32 @!p1 $0x200, s25  }
0x17e: {  	[hbm4b:s28+s26] =	stream.linear.scatter @!p1 [tilespmem:s24], [sflag:$0x1], $0x80, $0x38;
	[tilespmem:$0x9000] =	vst v63  }
0x17f: {  	s24 =	sadd.s32 @!p1 $0x2400, s22;
	s28 =	sadd.s32 @!p1 $0x280, s25  }
0x180: {  	[hbm4b:s28+s26] =	stream.linear.scatter @!p1 [tilespmem:s24], [sflag:$0x1], $0x80, $0x38;
	[tilespmem:$0x9000] =	vst v63  }
0x181: {  	s24 =	sadd.s32 @!p1 $0x2800, s22;
	s28 =	sadd.s32 @!p1 $0x300, s25  }
0x182: {  	[hbm4b:s28+s26] =	stream.linear.scatter @!p1 [tilespmem:s24], [sflag:$0x1], $0x80, $0x38;
	[tilespmem:$0x9000] =	vst v63  }
0x183: {  	s24 =	sadd.s32 @!p1 $0x2C00, s22;
	s28 =	sadd.s32 @!p1 $0x380, s25  }
0x184: {  	[hbm4b:s28+s26] =	stream.linear.scatter @!p1 [tilespmem:s24], [sflag:$0x1], $0x80, $0x38;
	[tilespmem:$0x9000] =	vst v63  }
0x185: {  	s24 =	sadd.s32 @!p1 $0x3000, s22;
	s28 =	sadd.s32 @!p1 $0x400, s25  }
0x186: {  	(v2sf) =	vpush v1, $0x7;
	[hbm4b:s28+s26] =	stream.linear.scatter @!p1 [tilespmem:s24], [sflag:$0x1], $0x80, $0x38;
	[tilespmem:$0x9000] =	vst v63  }
0x187: {  	s24 =	sadd.s32 @!p1 $0x3400, s22;
	s28 =	sadd.s32 @!p1 $0x480, s25  }
0x188: {  	[hbm4b:s28+s26] =	stream.linear.scatter @!p1 [tilespmem:s24], [sflag:$0x1], $0x80, $0x38;
	[tilespmem:$0x9000] =	vst v63  }
0x189: {  	s24 =	sadd.s32 @!p1 $0x3800, s22;
	s28 =	sadd.s32 @!p1 $0x500, s25  }
0x18a: {  	[hbm4b:s28+s26] =	stream.linear.scatter @!p1 [tilespmem:s24], [sflag:$0x1], $0x80, $0x38;
	[tilespmem:$0x9000] =	vst v63  }
0x18b: {  	s24 =	sadd.s32 @!p1 $0x3C00, s22;
	s28 =	sadd.s32 @!p1 $0x580, s25  }
0x18c: {  	[hbm4b:s28+s26] =	stream.linear.scatter @!p1 [tilespmem:s24], [sflag:$0x1], $0x80, $0x38;
	[tilespmem:$0x9000] =	vst v63  }
0x18d: {  	s24 =	sadd.s32 @!p1 $0x4000, s22;
	s28 =	sadd.s32 @!p1 $0x600, s25  }
0x18e: {  	[hbm4b:s28+s26] =	stream.linear.scatter @!p1 [tilespmem:s24], [sflag:$0x1], $0x80, $0x38;
	[tilespmem:$0x9000] =	vst v63  }
0x18f: {  	s24 =	sadd.s32 @!p1 $0x4400, s22;
	s28 =	sadd.s32 @!p1 $0x680, s25  }
0x190: {  	[hbm4b:s28+s26] =	stream.linear.scatter @!p1 [tilespmem:s24], [sflag:$0x1], $0x80, $0x38;
	[tilespmem:$0x9000] =	vst v63  }
0x191: {  	s24 =	sadd.s32 @!p1 $0x4800, s22;
	s28 =	sadd.s32 @!p1 $0x700, s25  }
0x192: {  	[hbm4b:s28+s26] =	stream.linear.scatter @!p1 [tilespmem:s24], [sflag:$0x1], $0x80, $0x38;
	[tilespmem:$0x9000] =	vst v63  }
0x193: {  	s22 =	sadd.s32 @!p1 $0x4C00, s22;
	s24 =	sadd.s32 @!p1 $0x780, s25  }
0x194: {  	[hbm4b:s24+s26] =	stream.linear.scatter @!p1 [tilespmem:s22], [sflag:$0x1], $0x80, $0x38;
	[tilespmem:$0x9000] =	vst v63  }
0x195: {  	s28 =	spop (v2sf);
	s26 =	sadd.s32 $0x7, s21  }
0x196: {  	p1 =	slt.s32 s28, $0xA;
	s22 =	smov.u32 s26  }
0x197: {  	s22 =	smov.u32 @p1 s23  }
0x198: {  	s23 =	sshll.u32 s22, $0xB;
	s29 =	sshll.u32 s22, $0x7  }
0x199: {  	s31 =	rddreg [dreg:$0xb];
	s23 =	ssub.s32 s19, s23;
	s25 =	ssub.s32 s18, s29  }
0x19a: {  	s24 =	ssub.s32 s26, s22;
	s23 =	sadd.s32 $0x3800, s23;
	s30 =	sadd.s32 $0x380, s25  }
0x19b: {  	p1 =	sgt.s32 s24, $0xF;
	s23 =	sand.u32 $0xFFFFC000, s23;
	s24 =	sand.u32 $0x380, s30  }
0x19c: {  	s25 =	sadd.s32 s20, s31;
	s28 =	sshll.u32 @p1 s1, $0x6;
	s26 =	sor.u32 @p1 s24, s23  }
0x19d: {  	s29 =	simm.s32 @p1 $0x1;
	s28 =	sor.u32 @p1 $0x1C01, s28;
	s26 =	sshrl.u32 @p1 s26, $0x3  }
0x19e: {  	s30 =	simm.s32 @p1 $0x80;
	s23 =	sadd.s32 @!p1 s24, s23;
	s26 =	sadd.s32 @p1 s2, s26  }
0x19f: {  	[hbm:s25@s30], [sflag:s28] =	dma.strided @p1 [hbm:s26@s30], $0x100, s29, $0x10   }
0x1a0: {  	s24 =	sadd.s32 @!p1 $0x1000, s23;
	s26 =	simm.s32 @!p1 $0x0  }
0x1a1: {  	[hbm4b:s25+s26] =	stream.linear.scatter @!p1 [tilespmem:s24], [sflag:$0x1], $0x80, $0x38;
	[tilespmem:$0x9000] =	vst v63  }
0x1a2: {  	s28 =	sadd.s32 @!p1 $0x80, s25;
	s24 =	sadd.s32 @!p1 $0x1400, s23  }
0x1a3: {  	[hbm4b:s28+s26] =	stream.linear.scatter @!p1 [tilespmem:s24], [sflag:$0x1], $0x80, $0x38;
	[tilespmem:$0x9000] =	vst v63  }
0x1a4: {  	s24 =	sadd.s32 @!p1 $0x1800, s23;
	s28 =	sadd.s32 @!p1 $0x100, s25  }
0x1a5: {  	[hbm4b:s28+s26] =	stream.linear.scatter @!p1 [tilespmem:s24], [sflag:$0x1], $0x80, $0x38;
	[tilespmem:$0x9000] =	vst v63  }
0x1a6: {  	s24 =	sadd.s32 @!p1 $0x1C00, s23;
	s28 =	sadd.s32 @!p1 $0x180, s25  }
0x1a7: {  	[hbm4b:s28+s26] =	stream.linear.scatter @!p1 [tilespmem:s24], [sflag:$0x1], $0x80, $0x38;
	[tilespmem:$0x9000] =	vst v63  }
0x1a8: {  	s24 =	sadd.s32 @!p1 $0x2000, s23;
	s28 =	sadd.s32 @!p1 $0x200, s25  }
0x1a9: {  	[hbm4b:s28+s26] =	stream.linear.scatter @!p1 [tilespmem:s24], [sflag:$0x1], $0x80, $0x38;
	[tilespmem:$0x9000] =	vst v63  }
0x1aa: {  	s24 =	sadd.s32 @!p1 $0x2400, s23;
	s28 =	sadd.s32 @!p1 $0x280, s25  }
0x1ab: {  	[hbm4b:s28+s26] =	stream.linear.scatter @!p1 [tilespmem:s24], [sflag:$0x1], $0x80, $0x38;
	[tilespmem:$0x9000] =	vst v63  }
0x1ac: {  	s24 =	sadd.s32 @!p1 $0x2800, s23;
	s28 =	sadd.s32 @!p1 $0x300, s25  }
0x1ad: {  	[hbm4b:s28+s26] =	stream.linear.scatter @!p1 [tilespmem:s24], [sflag:$0x1], $0x80, $0x38;
	[tilespmem:$0x9000] =	vst v63  }
0x1ae: {  	s24 =	sadd.s32 @!p1 $0x2C00, s23;
	s28 =	sadd.s32 @!p1 $0x380, s25  }
0x1af: {  	[hbm4b:s28+s26] =	stream.linear.scatter @!p1 [tilespmem:s24], [sflag:$0x1], $0x80, $0x38;
	[tilespmem:$0x9000] =	vst v63  }
0x1b0: {  	s24 =	sadd.s32 @!p1 $0x3000, s23;
	s28 =	sadd.s32 @!p1 $0x400, s25  }
0x1b1: {  	(v2sf) =	vpush v1, $0x8;
	[hbm4b:s28+s26] =	stream.linear.scatter @!p1 [tilespmem:s24], [sflag:$0x1], $0x80, $0x38;
	[tilespmem:$0x9000] =	vst v63  }
0x1b2: {  	s24 =	sadd.s32 @!p1 $0x3400, s23;
	s28 =	sadd.s32 @!p1 $0x480, s25  }
0x1b3: {  	[hbm4b:s28+s26] =	stream.linear.scatter @!p1 [tilespmem:s24], [sflag:$0x1], $0x80, $0x38;
	[tilespmem:$0x9000] =	vst v63  }
0x1b4: {  	s24 =	sadd.s32 @!p1 $0x3800, s23;
	s28 =	sadd.s32 @!p1 $0x500, s25  }
0x1b5: {  	[hbm4b:s28+s26] =	stream.linear.scatter @!p1 [tilespmem:s24], [sflag:$0x1], $0x80, $0x38;
	[tilespmem:$0x9000] =	vst v63  }
0x1b6: {  	s24 =	sadd.s32 @!p1 $0x3C00, s23;
	s28 =	sadd.s32 @!p1 $0x580, s25  }
0x1b7: {  	[hbm4b:s28+s26] =	stream.linear.scatter @!p1 [tilespmem:s24], [sflag:$0x1], $0x80, $0x38;
	[tilespmem:$0x9000] =	vst v63  }
0x1b8: {  	s24 =	sadd.s32 @!p1 $0x4000, s23;
	s28 =	sadd.s32 @!p1 $0x600, s25  }
0x1b9: {  	[hbm4b:s28+s26] =	stream.linear.scatter @!p1 [tilespmem:s24], [sflag:$0x1], $0x80, $0x38;
	[tilespmem:$0x9000] =	vst v63  }
0x1ba: {  	s24 =	sadd.s32 @!p1 $0x4400, s23;
	s28 =	sadd.s32 @!p1 $0x680, s25  }
0x1bb: {  	[hbm4b:s28+s26] =	stream.linear.scatter @!p1 [tilespmem:s24], [sflag:$0x1], $0x80, $0x38;
	[tilespmem:$0x9000] =	vst v63  }
0x1bc: {  	s24 =	sadd.s32 @!p1 $0x4800, s23;
	s28 =	sadd.s32 @!p1 $0x700, s25  }
0x1bd: {  	[hbm4b:s28+s26] =	stream.linear.scatter @!p1 [tilespmem:s24], [sflag:$0x1], $0x80, $0x38;
	[tilespmem:$0x9000] =	vst v63  }
0x1be: {  	s23 =	sadd.s32 @!p1 $0x4C00, s23;
	s24 =	sadd.s32 @!p1 $0x780, s25  }
0x1bf: {  	[hbm4b:s24+s26] =	stream.linear.scatter @!p1 [tilespmem:s23], [sflag:$0x1], $0x80, $0x38;
	[tilespmem:$0x9000] =	vst v63  }
0x1c0: {  	s28 =	spop (v2sf);
	s26 =	sadd.s32 $0x8, s21  }
0x1c1: {  	p1 =	slt.s32 s28, $0xA;
	s23 =	smov.u32 s26  }
0x1c2: {  	s23 =	smov.u32 @p1 s22  }
0x1c3: {  	s22 =	sshll.u32 s23, $0xB;
	s29 =	sshll.u32 s23, $0x7  }
0x1c4: {  	s31 =	rddreg [dreg:$0xc];
	s22 =	ssub.s32 s19, s22;
	s25 =	ssub.s32 s18, s29  }
0x1c5: {  	s24 =	ssub.s32 s26, s23;
	s22 =	sadd.s32 $0x4000, s22;
	s30 =	sadd.s32 $0x400, s25  }
0x1c6: {  	p1 =	sgt.s32 s24, $0xF;
	s22 =	sand.u32 $0xFFFFC000, s22;
	s24 =	sand.u32 $0x380, s30  }
0x1c7: {  	s25 =	sadd.s32 s20, s31;
	s28 =	sshll.u32 @p1 s1, $0x6;
	s26 =	sor.u32 @p1 s24, s22  }
0x1c8: {  	s29 =	simm.s32 @p1 $0x1;
	s28 =	sor.u32 @p1 $0x1C01, s28;
	s26 =	sshrl.u32 @p1 s26, $0x3  }
0x1c9: {  	s30 =	simm.s32 @p1 $0x80;
	s22 =	sadd.s32 @!p1 s24, s22;
	s26 =	sadd.s32 @p1 s2, s26  }
0x1ca: {  	[hbm:s25@s30], [sflag:s28] =	dma.strided @p1 [hbm:s26@s30], $0x100, s29, $0x10   }
0x1cb: {  	s24 =	sadd.s32 @!p1 $0x1000, s22;
	s26 =	simm.s32 @!p1 $0x0  }
0x1cc: {  	[hbm4b:s25+s26] =	stream.linear.scatter @!p1 [tilespmem:s24], [sflag:$0x1], $0x80, $0x38;
	[tilespmem:$0x9000] =	vst v63  }
0x1cd: {  	s28 =	sadd.s32 @!p1 $0x80, s25;
	s24 =	sadd.s32 @!p1 $0x1400, s22  }
0x1ce: {  	[hbm4b:s28+s26] =	stream.linear.scatter @!p1 [tilespmem:s24], [sflag:$0x1], $0x80, $0x38;
	[tilespmem:$0x9000] =	vst v63  }
0x1cf: {  	s24 =	sadd.s32 @!p1 $0x1800, s22;
	s28 =	sadd.s32 @!p1 $0x100, s25  }
0x1d0: {  	[hbm4b:s28+s26] =	stream.linear.scatter @!p1 [tilespmem:s24], [sflag:$0x1], $0x80, $0x38;
	[tilespmem:$0x9000] =	vst v63  }
0x1d1: {  	s24 =	sadd.s32 @!p1 $0x1C00, s22;
	s28 =	sadd.s32 @!p1 $0x180, s25  }
0x1d2: {  	[hbm4b:s28+s26] =	stream.linear.scatter @!p1 [tilespmem:s24], [sflag:$0x1], $0x80, $0x38;
	[tilespmem:$0x9000] =	vst v63  }
0x1d3: {  	s24 =	sadd.s32 @!p1 $0x2000, s22;
	s28 =	sadd.s32 @!p1 $0x200, s25  }
0x1d4: {  	[hbm4b:s28+s26] =	stream.linear.scatter @!p1 [tilespmem:s24], [sflag:$0x1], $0x80, $0x38;
	[tilespmem:$0x9000] =	vst v63  }
0x1d5: {  	s24 =	sadd.s32 @!p1 $0x2400, s22;
	s28 =	sadd.s32 @!p1 $0x280, s25  }
0x1d6: {  	[hbm4b:s28+s26] =	stream.linear.scatter @!p1 [tilespmem:s24], [sflag:$0x1], $0x80, $0x38;
	[tilespmem:$0x9000] =	vst v63  }
0x1d7: {  	s24 =	sadd.s32 @!p1 $0x2800, s22;
	s28 =	sadd.s32 @!p1 $0x300, s25  }
0x1d8: {  	[hbm4b:s28+s26] =	stream.linear.scatter @!p1 [tilespmem:s24], [sflag:$0x1], $0x80, $0x38;
	[tilespmem:$0x9000] =	vst v63  }
0x1d9: {  	s24 =	sadd.s32 @!p1 $0x2C00, s22;
	s28 =	sadd.s32 @!p1 $0x380, s25  }
0x1da: {  	[hbm4b:s28+s26] =	stream.linear.scatter @!p1 [tilespmem:s24], [sflag:$0x1], $0x80, $0x38;
	[tilespmem:$0x9000] =	vst v63  }
0x1db: {  	s24 =	sadd.s32 @!p1 $0x3000, s22;
	s28 =	sadd.s32 @!p1 $0x400, s25  }
0x1dc: {  	(v2sf) =	vpush v1, $0x9;
	[hbm4b:s28+s26] =	stream.linear.scatter @!p1 [tilespmem:s24], [sflag:$0x1], $0x80, $0x38;
	[tilespmem:$0x9000] =	vst v63  }
0x1dd: {  	s24 =	sadd.s32 @!p1 $0x3400, s22;
	s28 =	sadd.s32 @!p1 $0x480, s25  }
0x1de: {  	[hbm4b:s28+s26] =	stream.linear.scatter @!p1 [tilespmem:s24], [sflag:$0x1], $0x80, $0x38;
	[tilespmem:$0x9000] =	vst v63  }
0x1df: {  	s24 =	sadd.s32 @!p1 $0x3800, s22;
	s28 =	sadd.s32 @!p1 $0x500, s25  }
0x1e0: {  	[hbm4b:s28+s26] =	stream.linear.scatter @!p1 [tilespmem:s24], [sflag:$0x1], $0x80, $0x38;
	[tilespmem:$0x9000] =	vst v63  }
0x1e1: {  	s24 =	sadd.s32 @!p1 $0x3C00, s22;
	s28 =	sadd.s32 @!p1 $0x580, s25  }
0x1e2: {  	[hbm4b:s28+s26] =	stream.linear.scatter @!p1 [tilespmem:s24], [sflag:$0x1], $0x80, $0x38;
	[tilespmem:$0x9000] =	vst v63  }
0x1e3: {  	s24 =	sadd.s32 @!p1 $0x4000, s22;
	s28 =	sadd.s32 @!p1 $0x600, s25  }
0x1e4: {  	[hbm4b:s28+s26] =	stream.linear.scatter @!p1 [tilespmem:s24], [sflag:$0x1], $0x80, $0x38;
	[tilespmem:$0x9000] =	vst v63  }
0x1e5: {  	s24 =	sadd.s32 @!p1 $0x4400, s22;
	s28 =	sadd.s32 @!p1 $0x680, s25  }
0x1e6: {  	[hbm4b:s28+s26] =	stream.linear.scatter @!p1 [tilespmem:s24], [sflag:$0x1], $0x80, $0x38;
	[tilespmem:$0x9000] =	vst v63  }
0x1e7: {  	s24 =	sadd.s32 @!p1 $0x4800, s22;
	s28 =	sadd.s32 @!p1 $0x700, s25  }
0x1e8: {  	[hbm4b:s28+s26] =	stream.linear.scatter @!p1 [tilespmem:s24], [sflag:$0x1], $0x80, $0x38;
	[tilespmem:$0x9000] =	vst v63  }
0x1e9: {  	s22 =	sadd.s32 @!p1 $0x4C00, s22;
	s24 =	sadd.s32 @!p1 $0x780, s25  }
0x1ea: {  	[hbm4b:s24+s26] =	stream.linear.scatter @!p1 [tilespmem:s22], [sflag:$0x1], $0x80, $0x38;
	[tilespmem:$0x9000] =	vst v63  }
0x1eb: {  	s28 =	spop (v2sf);
	s26 =	sadd.s32 $0x9, s21  }
0x1ec: {  	p1 =	slt.s32 s28, $0xA;
	s22 =	smov.u32 s26  }
0x1ed: {  	s22 =	smov.u32 @p1 s23  }
0x1ee: {  	s23 =	sshll.u32 s22, $0xB;
	s29 =	sshll.u32 s22, $0x7  }
0x1ef: {  	s31 =	rddreg [dreg:$0xd];
	s23 =	ssub.s32 s19, s23;
	s25 =	ssub.s32 s18, s29  }
0x1f0: {  	s24 =	ssub.s32 s26, s22;
	s23 =	sadd.s32 $0x4800, s23;
	s30 =	sadd.s32 $0x480, s25  }
0x1f1: {  	p1 =	sgt.s32 s24, $0xF;
	s23 =	sand.u32 $0xFFFFC000, s23;
	s24 =	sand.u32 $0x380, s30  }
0x1f2: {  	s25 =	sadd.s32 s20, s31;
	s28 =	sshll.u32 @p1 s1, $0x6;
	s26 =	sor.u32 @p1 s24, s23  }
0x1f3: {  	s29 =	simm.s32 @p1 $0x1;
	s28 =	sor.u32 @p1 $0x1C01, s28;
	s26 =	sshrl.u32 @p1 s26, $0x3  }
0x1f4: {  	s30 =	simm.s32 @p1 $0x80;
	s23 =	sadd.s32 @!p1 s24, s23;
	s26 =	sadd.s32 @p1 s2, s26  }
0x1f5: {  	[hbm:s25@s30], [sflag:s28] =	dma.strided @p1 [hbm:s26@s30], $0x100, s29, $0x10   }
0x1f6: {  	s24 =	sadd.s32 @!p1 $0x1000, s23;
	s26 =	simm.s32 @!p1 $0x0  }
0x1f7: {  	[hbm4b:s25+s26] =	stream.linear.scatter @!p1 [tilespmem:s24], [sflag:$0x1], $0x80, $0x38;
	[tilespmem:$0x9000] =	vst v63  }
0x1f8: {  	s28 =	sadd.s32 @!p1 $0x80, s25;
	s24 =	sadd.s32 @!p1 $0x1400, s23  }
0x1f9: {  	[hbm4b:s28+s26] =	stream.linear.scatter @!p1 [tilespmem:s24], [sflag:$0x1], $0x80, $0x38;
	[tilespmem:$0x9000] =	vst v63  }
0x1fa: {  	s24 =	sadd.s32 @!p1 $0x1800, s23;
	s28 =	sadd.s32 @!p1 $0x100, s25  }
0x1fb: {  	[hbm4b:s28+s26] =	stream.linear.scatter @!p1 [tilespmem:s24], [sflag:$0x1], $0x80, $0x38;
	[tilespmem:$0x9000] =	vst v63  }
0x1fc: {  	s24 =	sadd.s32 @!p1 $0x1C00, s23;
	s28 =	sadd.s32 @!p1 $0x180, s25  }
0x1fd: {  	[hbm4b:s28+s26] =	stream.linear.scatter @!p1 [tilespmem:s24], [sflag:$0x1], $0x80, $0x38;
	[tilespmem:$0x9000] =	vst v63  }
0x1fe: {  	s24 =	sadd.s32 @!p1 $0x2000, s23;
	s28 =	sadd.s32 @!p1 $0x200, s25  }
0x1ff: {  	[hbm4b:s28+s26] =	stream.linear.scatter @!p1 [tilespmem:s24], [sflag:$0x1], $0x80, $0x38;
	[tilespmem:$0x9000] =	vst v63  }
0x200: {  	s24 =	sadd.s32 @!p1 $0x2400, s23;
	s28 =	sadd.s32 @!p1 $0x280, s25  }
0x201: {  	[hbm4b:s28+s26] =	stream.linear.scatter @!p1 [tilespmem:s24], [sflag:$0x1], $0x80, $0x38;
	[tilespmem:$0x9000] =	vst v63  }
0x202: {  	s24 =	sadd.s32 @!p1 $0x2800, s23;
	s28 =	sadd.s32 @!p1 $0x300, s25  }
0x203: {  	[hbm4b:s28+s26] =	stream.linear.scatter @!p1 [tilespmem:s24], [sflag:$0x1], $0x80, $0x38;
	[tilespmem:$0x9000] =	vst v63  }
0x204: {  	s24 =	sadd.s32 @!p1 $0x2C00, s23;
	s28 =	sadd.s32 @!p1 $0x380, s25  }
0x205: {  	[hbm4b:s28+s26] =	stream.linear.scatter @!p1 [tilespmem:s24], [sflag:$0x1], $0x80, $0x38;
	[tilespmem:$0x9000] =	vst v63  }
0x206: {  	s24 =	sadd.s32 @!p1 $0x3000, s23;
	s28 =	sadd.s32 @!p1 $0x400, s25  }
0x207: {  	(v2sf) =	vpush v1, $0xA;
	[hbm4b:s28+s26] =	stream.linear.scatter @!p1 [tilespmem:s24], [sflag:$0x1], $0x80, $0x38;
	[tilespmem:$0x9000] =	vst v63  }
0x208: {  	s24 =	sadd.s32 @!p1 $0x3400, s23;
	s28 =	sadd.s32 @!p1 $0x480, s25  }
0x209: {  	[hbm4b:s28+s26] =	stream.linear.scatter @!p1 [tilespmem:s24], [sflag:$0x1], $0x80, $0x38;
	[tilespmem:$0x9000] =	vst v63  }
0x20a: {  	s24 =	sadd.s32 @!p1 $0x3800, s23;
	s28 =	sadd.s32 @!p1 $0x500, s25  }
0x20b: {  	[hbm4b:s28+s26] =	stream.linear.scatter @!p1 [tilespmem:s24], [sflag:$0x1], $0x80, $0x38;
	[tilespmem:$0x9000] =	vst v63  }
0x20c: {  	s24 =	sadd.s32 @!p1 $0x3C00, s23;
	s28 =	sadd.s32 @!p1 $0x580, s25  }
0x20d: {  	[hbm4b:s28+s26] =	stream.linear.scatter @!p1 [tilespmem:s24], [sflag:$0x1], $0x80, $0x38;
	[tilespmem:$0x9000] =	vst v63  }
0x20e: {  	s24 =	sadd.s32 @!p1 $0x4000, s23;
	s28 =	sadd.s32 @!p1 $0x600, s25  }
0x20f: {  	[hbm4b:s28+s26] =	stream.linear.scatter @!p1 [tilespmem:s24], [sflag:$0x1], $0x80, $0x38;
	[tilespmem:$0x9000] =	vst v63  }
0x210: {  	s24 =	sadd.s32 @!p1 $0x4400, s23;
	s28 =	sadd.s32 @!p1 $0x680, s25  }
0x211: {  	[hbm4b:s28+s26] =	stream.linear.scatter @!p1 [tilespmem:s24], [sflag:$0x1], $0x80, $0x38;
	[tilespmem:$0x9000] =	vst v63  }
0x212: {  	s24 =	sadd.s32 @!p1 $0x4800, s23;
	s28 =	sadd.s32 @!p1 $0x700, s25  }
0x213: {  	[hbm4b:s28+s26] =	stream.linear.scatter @!p1 [tilespmem:s24], [sflag:$0x1], $0x80, $0x38;
	[tilespmem:$0x9000] =	vst v63  }
0x214: {  	s23 =	sadd.s32 @!p1 $0x4C00, s23;
	s24 =	sadd.s32 @!p1 $0x780, s25  }
0x215: {  	[hbm4b:s24+s26] =	stream.linear.scatter @!p1 [tilespmem:s23], [sflag:$0x1], $0x80, $0x38;
	[tilespmem:$0x9000] =	vst v63  }
0x216: {  	s28 =	spop (v2sf);
	s26 =	sadd.s32 $0xA, s21  }
0x217: {  	p1 =	slt.s32 s28, $0xA;
	s23 =	smov.u32 s26  }
0x218: {  	s23 =	smov.u32 @p1 s22  }
0x219: {  	s22 =	sshll.u32 s23, $0xB;
	s29 =	sshll.u32 s23, $0x7  }
0x21a: {  	s31 =	rddreg [dreg:$0xe];
	s22 =	ssub.s32 s19, s22;
	s25 =	ssub.s32 s18, s29  }
0x21b: {  	s24 =	ssub.s32 s26, s23;
	s22 =	sadd.s32 $0x5000, s22;
	s30 =	sadd.s32 $0x500, s25  }
0x21c: {  	p1 =	sgt.s32 s24, $0xF;
	s22 =	sand.u32 $0xFFFFC000, s22;
	s24 =	sand.u32 $0x380, s30  }
0x21d: {  	s25 =	sadd.s32 s20, s31;
	s28 =	sshll.u32 @p1 s1, $0x6;
	s26 =	sor.u32 @p1 s24, s22  }
0x21e: {  	s29 =	simm.s32 @p1 $0x1;
	s28 =	sor.u32 @p1 $0x1C01, s28;
	s26 =	sshrl.u32 @p1 s26, $0x3  }
0x21f: {  	s30 =	simm.s32 @p1 $0x80;
	s22 =	sadd.s32 @!p1 s24, s22;
	s26 =	sadd.s32 @p1 s2, s26  }
0x220: {  	[hbm:s25@s30], [sflag:s28] =	dma.strided @p1 [hbm:s26@s30], $0x100, s29, $0x10   }
0x221: {  	s24 =	sadd.s32 @!p1 $0x1000, s22;
	s26 =	simm.s32 @!p1 $0x0  }
0x222: {  	[hbm4b:s25+s26] =	stream.linear.scatter @!p1 [tilespmem:s24], [sflag:$0x1], $0x80, $0x38;
	[tilespmem:$0x9000] =	vst v63  }
0x223: {  	s28 =	sadd.s32 @!p1 $0x80, s25;
	s24 =	sadd.s32 @!p1 $0x1400, s22  }
0x224: {  	[hbm4b:s28+s26] =	stream.linear.scatter @!p1 [tilespmem:s24], [sflag:$0x1], $0x80, $0x38;
	[tilespmem:$0x9000] =	vst v63  }
0x225: {  	s24 =	sadd.s32 @!p1 $0x1800, s22;
	s28 =	sadd.s32 @!p1 $0x100, s25  }
0x226: {  	[hbm4b:s28+s26] =	stream.linear.scatter @!p1 [tilespmem:s24], [sflag:$0x1], $0x80, $0x38;
	[tilespmem:$0x9000] =	vst v63  }
0x227: {  	s24 =	sadd.s32 @!p1 $0x1C00, s22;
	s28 =	sadd.s32 @!p1 $0x180, s25  }
0x228: {  	[hbm4b:s28+s26] =	stream.linear.scatter @!p1 [tilespmem:s24], [sflag:$0x1], $0x80, $0x38;
	[tilespmem:$0x9000] =	vst v63  }
0x229: {  	s24 =	sadd.s32 @!p1 $0x2000, s22;
	s28 =	sadd.s32 @!p1 $0x200, s25  }
0x22a: {  	[hbm4b:s28+s26] =	stream.linear.scatter @!p1 [tilespmem:s24], [sflag:$0x1], $0x80, $0x38;
	[tilespmem:$0x9000] =	vst v63  }
0x22b: {  	s24 =	sadd.s32 @!p1 $0x2400, s22;
	s28 =	sadd.s32 @!p1 $0x280, s25  }
0x22c: {  	[hbm4b:s28+s26] =	stream.linear.scatter @!p1 [tilespmem:s24], [sflag:$0x1], $0x80, $0x38;
	[tilespmem:$0x9000] =	vst v63  }
0x22d: {  	s24 =	sadd.s32 @!p1 $0x2800, s22;
	s28 =	sadd.s32 @!p1 $0x300, s25  }
0x22e: {  	[hbm4b:s28+s26] =	stream.linear.scatter @!p1 [tilespmem:s24], [sflag:$0x1], $0x80, $0x38;
	[tilespmem:$0x9000] =	vst v63  }
0x22f: {  	s24 =	sadd.s32 @!p1 $0x2C00, s22;
	s28 =	sadd.s32 @!p1 $0x380, s25  }
0x230: {  	[hbm4b:s28+s26] =	stream.linear.scatter @!p1 [tilespmem:s24], [sflag:$0x1], $0x80, $0x38;
	[tilespmem:$0x9000] =	vst v63  }
0x231: {  	s24 =	sadd.s32 @!p1 $0x3000, s22;
	s28 =	sadd.s32 @!p1 $0x400, s25  }
0x232: {  	(v2sf) =	vpush v1, $0xB;
	[hbm4b:s28+s26] =	stream.linear.scatter @!p1 [tilespmem:s24], [sflag:$0x1], $0x80, $0x38;
	[tilespmem:$0x9000] =	vst v63  }
0x233: {  	s24 =	sadd.s32 @!p1 $0x3400, s22;
	s28 =	sadd.s32 @!p1 $0x480, s25  }
0x234: {  	[hbm4b:s28+s26] =	stream.linear.scatter @!p1 [tilespmem:s24], [sflag:$0x1], $0x80, $0x38;
	[tilespmem:$0x9000] =	vst v63  }
0x235: {  	s24 =	sadd.s32 @!p1 $0x3800, s22;
	s28 =	sadd.s32 @!p1 $0x500, s25  }
0x236: {  	[hbm4b:s28+s26] =	stream.linear.scatter @!p1 [tilespmem:s24], [sflag:$0x1], $0x80, $0x38;
	[tilespmem:$0x9000] =	vst v63  }
0x237: {  	s24 =	sadd.s32 @!p1 $0x3C00, s22;
	s28 =	sadd.s32 @!p1 $0x580, s25  }
0x238: {  	[hbm4b:s28+s26] =	stream.linear.scatter @!p1 [tilespmem:s24], [sflag:$0x1], $0x80, $0x38;
	[tilespmem:$0x9000] =	vst v63  }
0x239: {  	s24 =	sadd.s32 @!p1 $0x4000, s22;
	s28 =	sadd.s32 @!p1 $0x600, s25  }
0x23a: {  	[hbm4b:s28+s26] =	stream.linear.scatter @!p1 [tilespmem:s24], [sflag:$0x1], $0x80, $0x38;
	[tilespmem:$0x9000] =	vst v63  }
0x23b: {  	s24 =	sadd.s32 @!p1 $0x4400, s22;
	s28 =	sadd.s32 @!p1 $0x680, s25  }
0x23c: {  	[hbm4b:s28+s26] =	stream.linear.scatter @!p1 [tilespmem:s24], [sflag:$0x1], $0x80, $0x38;
	[tilespmem:$0x9000] =	vst v63  }
0x23d: {  	s24 =	sadd.s32 @!p1 $0x4800, s22;
	s28 =	sadd.s32 @!p1 $0x700, s25  }
0x23e: {  	[hbm4b:s28+s26] =	stream.linear.scatter @!p1 [tilespmem:s24], [sflag:$0x1], $0x80, $0x38;
	[tilespmem:$0x9000] =	vst v63  }
0x23f: {  	s22 =	sadd.s32 @!p1 $0x4C00, s22;
	s24 =	sadd.s32 @!p1 $0x780, s25  }
0x240: {  	[hbm4b:s24+s26] =	stream.linear.scatter @!p1 [tilespmem:s22], [sflag:$0x1], $0x80, $0x38;
	[tilespmem:$0x9000] =	vst v63  }
0x241: {  	s28 =	spop (v2sf);
	s26 =	sadd.s32 $0xB, s21  }
0x242: {  	p1 =	slt.s32 s28, $0xA;
	s22 =	smov.u32 s26  }
0x243: {  	s22 =	smov.u32 @p1 s23  }
0x244: {  	s23 =	sshll.u32 s22, $0xB;
	s29 =	sshll.u32 s22, $0x7  }
0x245: {  	s31 =	rddreg [dreg:$0xf];
	s23 =	ssub.s32 s19, s23;
	s25 =	ssub.s32 s18, s29  }
0x246: {  	s24 =	ssub.s32 s26, s22;
	s23 =	sadd.s32 $0x5800, s23;
	s30 =	sadd.s32 $0x580, s25  }
0x247: {  	p1 =	sgt.s32 s24, $0xF;
	s23 =	sand.u32 $0xFFFFC000, s23;
	s24 =	sand.u32 $0x380, s30  }
0x248: {  	s25 =	sadd.s32 s20, s31;
	s28 =	sshll.u32 @p1 s1, $0x6;
	s26 =	sor.u32 @p1 s24, s23  }
0x249: {  	s29 =	simm.s32 @p1 $0x1;
	s28 =	sor.u32 @p1 $0x1C01, s28;
	s26 =	sshrl.u32 @p1 s26, $0x3  }
0x24a: {  	s30 =	simm.s32 @p1 $0x80;
	s23 =	sadd.s32 @!p1 s24, s23;
	s26 =	sadd.s32 @p1 s2, s26  }
0x24b: {  	[hbm:s25@s30], [sflag:s28] =	dma.strided @p1 [hbm:s26@s30], $0x100, s29, $0x10   }
0x24c: {  	s24 =	sadd.s32 @!p1 $0x1000, s23;
	s26 =	simm.s32 @!p1 $0x0  }
0x24d: {  	[hbm4b:s25+s26] =	stream.linear.scatter @!p1 [tilespmem:s24], [sflag:$0x1], $0x80, $0x38;
	[tilespmem:$0x9000] =	vst v63  }
0x24e: {  	s28 =	sadd.s32 @!p1 $0x80, s25;
	s24 =	sadd.s32 @!p1 $0x1400, s23  }
0x24f: {  	[hbm4b:s28+s26] =	stream.linear.scatter @!p1 [tilespmem:s24], [sflag:$0x1], $0x80, $0x38;
	[tilespmem:$0x9000] =	vst v63  }
0x250: {  	s24 =	sadd.s32 @!p1 $0x1800, s23;
	s28 =	sadd.s32 @!p1 $0x100, s25  }
0x251: {  	[hbm4b:s28+s26] =	stream.linear.scatter @!p1 [tilespmem:s24], [sflag:$0x1], $0x80, $0x38;
	[tilespmem:$0x9000] =	vst v63  }
0x252: {  	s24 =	sadd.s32 @!p1 $0x1C00, s23;
	s28 =	sadd.s32 @!p1 $0x180, s25  }
0x253: {  	[hbm4b:s28+s26] =	stream.linear.scatter @!p1 [tilespmem:s24], [sflag:$0x1], $0x80, $0x38;
	[tilespmem:$0x9000] =	vst v63  }
0x254: {  	s24 =	sadd.s32 @!p1 $0x2000, s23;
	s28 =	sadd.s32 @!p1 $0x200, s25  }
0x255: {  	[hbm4b:s28+s26] =	stream.linear.scatter @!p1 [tilespmem:s24], [sflag:$0x1], $0x80, $0x38;
	[tilespmem:$0x9000] =	vst v63  }
0x256: {  	s24 =	sadd.s32 @!p1 $0x2400, s23;
	s28 =	sadd.s32 @!p1 $0x280, s25  }
0x257: {  	[hbm4b:s28+s26] =	stream.linear.scatter @!p1 [tilespmem:s24], [sflag:$0x1], $0x80, $0x38;
	[tilespmem:$0x9000] =	vst v63  }
0x258: {  	s24 =	sadd.s32 @!p1 $0x2800, s23;
	s28 =	sadd.s32 @!p1 $0x300, s25  }
0x259: {  	[hbm4b:s28+s26] =	stream.linear.scatter @!p1 [tilespmem:s24], [sflag:$0x1], $0x80, $0x38;
	[tilespmem:$0x9000] =	vst v63  }
0x25a: {  	s24 =	sadd.s32 @!p1 $0x2C00, s23;
	s28 =	sadd.s32 @!p1 $0x380, s25  }
0x25b: {  	[hbm4b:s28+s26] =	stream.linear.scatter @!p1 [tilespmem:s24], [sflag:$0x1], $0x80, $0x38;
	[tilespmem:$0x9000] =	vst v63  }
0x25c: {  	s24 =	sadd.s32 @!p1 $0x3000, s23;
	s28 =	sadd.s32 @!p1 $0x400, s25  }
0x25d: {  	(v2sf) =	vpush v1, $0xC;
	[hbm4b:s28+s26] =	stream.linear.scatter @!p1 [tilespmem:s24], [sflag:$0x1], $0x80, $0x38;
	[tilespmem:$0x9000] =	vst v63  }
0x25e: {  	s24 =	sadd.s32 @!p1 $0x3400, s23;
	s28 =	sadd.s32 @!p1 $0x480, s25  }
0x25f: {  	[hbm4b:s28+s26] =	stream.linear.scatter @!p1 [tilespmem:s24], [sflag:$0x1], $0x80, $0x38;
	[tilespmem:$0x9000] =	vst v63  }
0x260: {  	s24 =	sadd.s32 @!p1 $0x3800, s23;
	s28 =	sadd.s32 @!p1 $0x500, s25  }
0x261: {  	[hbm4b:s28+s26] =	stream.linear.scatter @!p1 [tilespmem:s24], [sflag:$0x1], $0x80, $0x38;
	[tilespmem:$0x9000] =	vst v63  }
0x262: {  	s24 =	sadd.s32 @!p1 $0x3C00, s23;
	s28 =	sadd.s32 @!p1 $0x580, s25  }
0x263: {  	[hbm4b:s28+s26] =	stream.linear.scatter @!p1 [tilespmem:s24], [sflag:$0x1], $0x80, $0x38;
	[tilespmem:$0x9000] =	vst v63  }
0x264: {  	s24 =	sadd.s32 @!p1 $0x4000, s23;
	s28 =	sadd.s32 @!p1 $0x600, s25  }
0x265: {  	[hbm4b:s28+s26] =	stream.linear.scatter @!p1 [tilespmem:s24], [sflag:$0x1], $0x80, $0x38;
	[tilespmem:$0x9000] =	vst v63  }
0x266: {  	s24 =	sadd.s32 @!p1 $0x4400, s23;
	s28 =	sadd.s32 @!p1 $0x680, s25  }
0x267: {  	[hbm4b:s28+s26] =	stream.linear.scatter @!p1 [tilespmem:s24], [sflag:$0x1], $0x80, $0x38;
	[tilespmem:$0x9000] =	vst v63  }
0x268: {  	s24 =	sadd.s32 @!p1 $0x4800, s23;
	s28 =	sadd.s32 @!p1 $0x700, s25  }
0x269: {  	[hbm4b:s28+s26] =	stream.linear.scatter @!p1 [tilespmem:s24], [sflag:$0x1], $0x80, $0x38;
	[tilespmem:$0x9000] =	vst v63  }
0x26a: {  	s23 =	sadd.s32 @!p1 $0x4C00, s23;
	s24 =	sadd.s32 @!p1 $0x780, s25  }
0x26b: {  	[hbm4b:s24+s26] =	stream.linear.scatter @!p1 [tilespmem:s23], [sflag:$0x1], $0x80, $0x38;
	[tilespmem:$0x9000] =	vst v63  }
0x26c: {  	s28 =	spop (v2sf);
	s26 =	sadd.s32 $0xC, s21  }
0x26d: {  	p1 =	slt.s32 s28, $0xA;
	s23 =	smov.u32 s26  }
0x26e: {  	s23 =	smov.u32 @p1 s22  }
0x26f: {  	s22 =	sshll.u32 s23, $0xB;
	s29 =	sshll.u32 s23, $0x7  }
0x270: {  	s31 =	rddreg [dreg:$0x10];
	s22 =	ssub.s32 s19, s22;
	s25 =	ssub.s32 s18, s29  }
0x271: {  	s24 =	ssub.s32 s26, s23;
	s22 =	sadd.s32 $0x6000, s22;
	s30 =	sadd.s32 $0x600, s25  }
0x272: {  	p1 =	sgt.s32 s24, $0xF;
	s22 =	sand.u32 $0xFFFFC000, s22;
	s24 =	sand.u32 $0x380, s30  }
0x273: {  	s25 =	sadd.s32 s20, s31;
	s28 =	sshll.u32 @p1 s1, $0x6;
	s26 =	sor.u32 @p1 s24, s22  }
0x274: {  	s29 =	simm.s32 @p1 $0x1;
	s28 =	sor.u32 @p1 $0x1C01, s28;
	s26 =	sshrl.u32 @p1 s26, $0x3  }
0x275: {  	s30 =	simm.s32 @p1 $0x80;
	s22 =	sadd.s32 @!p1 s24, s22;
	s26 =	sadd.s32 @p1 s2, s26  }
0x276: {  	[hbm:s25@s30], [sflag:s28] =	dma.strided @p1 [hbm:s26@s30], $0x100, s29, $0x10   }
0x277: {  	s24 =	sadd.s32 @!p1 $0x1000, s22;
	s26 =	simm.s32 @!p1 $0x0  }
0x278: {  	[hbm4b:s25+s26] =	stream.linear.scatter @!p1 [tilespmem:s24], [sflag:$0x1], $0x80, $0x38;
	[tilespmem:$0x9000] =	vst v63  }
0x279: {  	s28 =	sadd.s32 @!p1 $0x80, s25;
	s24 =	sadd.s32 @!p1 $0x1400, s22  }
0x27a: {  	[hbm4b:s28+s26] =	stream.linear.scatter @!p1 [tilespmem:s24], [sflag:$0x1], $0x80, $0x38;
	[tilespmem:$0x9000] =	vst v63  }
0x27b: {  	s24 =	sadd.s32 @!p1 $0x1800, s22;
	s28 =	sadd.s32 @!p1 $0x100, s25  }
0x27c: {  	[hbm4b:s28+s26] =	stream.linear.scatter @!p1 [tilespmem:s24], [sflag:$0x1], $0x80, $0x38;
	[tilespmem:$0x9000] =	vst v63  }
0x27d: {  	s24 =	sadd.s32 @!p1 $0x1C00, s22;
	s28 =	sadd.s32 @!p1 $0x180, s25  }
0x27e: {  	[hbm4b:s28+s26] =	stream.linear.scatter @!p1 [tilespmem:s24], [sflag:$0x1], $0x80, $0x38;
	[tilespmem:$0x9000] =	vst v63  }
0x27f: {  	s24 =	sadd.s32 @!p1 $0x2000, s22;
	s28 =	sadd.s32 @!p1 $0x200, s25  }
0x280: {  	[hbm4b:s28+s26] =	stream.linear.scatter @!p1 [tilespmem:s24], [sflag:$0x1], $0x80, $0x38;
	[tilespmem:$0x9000] =	vst v63  }
0x281: {  	s24 =	sadd.s32 @!p1 $0x2400, s22;
	s28 =	sadd.s32 @!p1 $0x280, s25  }
0x282: {  	[hbm4b:s28+s26] =	stream.linear.scatter @!p1 [tilespmem:s24], [sflag:$0x1], $0x80, $0x38;
	[tilespmem:$0x9000] =	vst v63  }
0x283: {  	s24 =	sadd.s32 @!p1 $0x2800, s22;
	s28 =	sadd.s32 @!p1 $0x300, s25  }
0x284: {  	[hbm4b:s28+s26] =	stream.linear.scatter @!p1 [tilespmem:s24], [sflag:$0x1], $0x80, $0x38;
	[tilespmem:$0x9000] =	vst v63  }
0x285: {  	s24 =	sadd.s32 @!p1 $0x2C00, s22;
	s28 =	sadd.s32 @!p1 $0x380, s25  }
0x286: {  	[hbm4b:s28+s26] =	stream.linear.scatter @!p1 [tilespmem:s24], [sflag:$0x1], $0x80, $0x38;
	[tilespmem:$0x9000] =	vst v63  }
0x287: {  	s24 =	sadd.s32 @!p1 $0x3000, s22;
	s28 =	sadd.s32 @!p1 $0x400, s25  }
0x288: {  	(v2sf) =	vpush v1, $0xD;
	[hbm4b:s28+s26] =	stream.linear.scatter @!p1 [tilespmem:s24], [sflag:$0x1], $0x80, $0x38;
	[tilespmem:$0x9000] =	vst v63  }
0x289: {  	s24 =	sadd.s32 @!p1 $0x3400, s22;
	s28 =	sadd.s32 @!p1 $0x480, s25  }
0x28a: {  	[hbm4b:s28+s26] =	stream.linear.scatter @!p1 [tilespmem:s24], [sflag:$0x1], $0x80, $0x38;
	[tilespmem:$0x9000] =	vst v63  }
0x28b: {  	s24 =	sadd.s32 @!p1 $0x3800, s22;
	s28 =	sadd.s32 @!p1 $0x500, s25  }
0x28c: {  	[hbm4b:s28+s26] =	stream.linear.scatter @!p1 [tilespmem:s24], [sflag:$0x1], $0x80, $0x38;
	[tilespmem:$0x9000] =	vst v63  }
0x28d: {  	s24 =	sadd.s32 @!p1 $0x3C00, s22;
	s28 =	sadd.s32 @!p1 $0x580, s25  }
0x28e: {  	[hbm4b:s28+s26] =	stream.linear.scatter @!p1 [tilespmem:s24], [sflag:$0x1], $0x80, $0x38;
	[tilespmem:$0x9000] =	vst v63  }
0x28f: {  	s24 =	sadd.s32 @!p1 $0x4000, s22;
	s28 =	sadd.s32 @!p1 $0x600, s25  }
0x290: {  	[hbm4b:s28+s26] =	stream.linear.scatter @!p1 [tilespmem:s24], [sflag:$0x1], $0x80, $0x38;
	[tilespmem:$0x9000] =	vst v63  }
0x291: {  	s24 =	sadd.s32 @!p1 $0x4400, s22;
	s28 =	sadd.s32 @!p1 $0x680, s25  }
0x292: {  	[hbm4b:s28+s26] =	stream.linear.scatter @!p1 [tilespmem:s24], [sflag:$0x1], $0x80, $0x38;
	[tilespmem:$0x9000] =	vst v63  }
0x293: {  	s24 =	sadd.s32 @!p1 $0x4800, s22;
	s28 =	sadd.s32 @!p1 $0x700, s25  }
0x294: {  	[hbm4b:s28+s26] =	stream.linear.scatter @!p1 [tilespmem:s24], [sflag:$0x1], $0x80, $0x38;
	[tilespmem:$0x9000] =	vst v63  }
0x295: {  	s22 =	sadd.s32 @!p1 $0x4C00, s22;
	s24 =	sadd.s32 @!p1 $0x780, s25  }
0x296: {  	[hbm4b:s24+s26] =	stream.linear.scatter @!p1 [tilespmem:s22], [sflag:$0x1], $0x80, $0x38;
	[tilespmem:$0x9000] =	vst v63  }
0x297: {  	s28 =	spop (v2sf);
	s26 =	sadd.s32 $0xD, s21  }
0x298: {  	p1 =	slt.s32 s28, $0xA;
	s22 =	smov.u32 s26  }
0x299: {  	s22 =	smov.u32 @p1 s23  }
0x29a: {  	s23 =	sshll.u32 s22, $0xB;
	s29 =	sshll.u32 s22, $0x7  }
0x29b: {  	s31 =	rddreg [dreg:$0x11];
	s23 =	ssub.s32 s19, s23;
	s25 =	ssub.s32 s18, s29  }
0x29c: {  	s24 =	ssub.s32 s26, s22;
	s23 =	sadd.s32 $0x6800, s23;
	s30 =	sadd.s32 $0x680, s25  }
0x29d: {  	p1 =	sgt.s32 s24, $0xF;
	s23 =	sand.u32 $0xFFFFC000, s23;
	s24 =	sand.u32 $0x380, s30  }
0x29e: {  	s25 =	sadd.s32 s20, s31;
	s28 =	sshll.u32 @p1 s1, $0x6;
	s26 =	sor.u32 @p1 s24, s23  }
0x29f: {  	s29 =	simm.s32 @p1 $0x1;
	s28 =	sor.u32 @p1 $0x1C01, s28;
	s26 =	sshrl.u32 @p1 s26, $0x3  }
0x2a0: {  	s30 =	simm.s32 @p1 $0x80;
	s23 =	sadd.s32 @!p1 s24, s23;
	s26 =	sadd.s32 @p1 s2, s26  }
0x2a1: {  	[hbm:s25@s30], [sflag:s28] =	dma.strided @p1 [hbm:s26@s30], $0x100, s29, $0x10   }
0x2a2: {  	s24 =	sadd.s32 @!p1 $0x1000, s23;
	s26 =	simm.s32 @!p1 $0x0  }
0x2a3: {  	[hbm4b:s25+s26] =	stream.linear.scatter @!p1 [tilespmem:s24], [sflag:$0x1], $0x80, $0x38;
	[tilespmem:$0x9000] =	vst v63  }
0x2a4: {  	s28 =	sadd.s32 @!p1 $0x80, s25;
	s24 =	sadd.s32 @!p1 $0x1400, s23  }
0x2a5: {  	[hbm4b:s28+s26] =	stream.linear.scatter @!p1 [tilespmem:s24], [sflag:$0x1], $0x80, $0x38;
	[tilespmem:$0x9000] =	vst v63  }
0x2a6: {  	s24 =	sadd.s32 @!p1 $0x1800, s23;
	s28 =	sadd.s32 @!p1 $0x100, s25  }
0x2a7: {  	[hbm4b:s28+s26] =	stream.linear.scatter @!p1 [tilespmem:s24], [sflag:$0x1], $0x80, $0x38;
	[tilespmem:$0x9000] =	vst v63  }
0x2a8: {  	s24 =	sadd.s32 @!p1 $0x1C00, s23;
	s28 =	sadd.s32 @!p1 $0x180, s25  }
0x2a9: {  	[hbm4b:s28+s26] =	stream.linear.scatter @!p1 [tilespmem:s24], [sflag:$0x1], $0x80, $0x38;
	[tilespmem:$0x9000] =	vst v63  }
0x2aa: {  	s24 =	sadd.s32 @!p1 $0x2000, s23;
	s28 =	sadd.s32 @!p1 $0x200, s25  }
0x2ab: {  	[hbm4b:s28+s26] =	stream.linear.scatter @!p1 [tilespmem:s24], [sflag:$0x1], $0x80, $0x38;
	[tilespmem:$0x9000] =	vst v63  }
0x2ac: {  	s24 =	sadd.s32 @!p1 $0x2400, s23;
	s28 =	sadd.s32 @!p1 $0x280, s25  }
0x2ad: {  	[hbm4b:s28+s26] =	stream.linear.scatter @!p1 [tilespmem:s24], [sflag:$0x1], $0x80, $0x38;
	[tilespmem:$0x9000] =	vst v63  }
0x2ae: {  	s24 =	sadd.s32 @!p1 $0x2800, s23;
	s28 =	sadd.s32 @!p1 $0x300, s25  }
0x2af: {  	[hbm4b:s28+s26] =	stream.linear.scatter @!p1 [tilespmem:s24], [sflag:$0x1], $0x80, $0x38;
	[tilespmem:$0x9000] =	vst v63  }
0x2b0: {  	s24 =	sadd.s32 @!p1 $0x2C00, s23;
	s28 =	sadd.s32 @!p1 $0x380, s25  }
0x2b1: {  	[hbm4b:s28+s26] =	stream.linear.scatter @!p1 [tilespmem:s24], [sflag:$0x1], $0x80, $0x38;
	[tilespmem:$0x9000] =	vst v63  }
0x2b2: {  	s24 =	sadd.s32 @!p1 $0x3000, s23;
	s28 =	sadd.s32 @!p1 $0x400, s25  }
0x2b3: {  	(v2sf) =	vpush v1, $0xE;
	[hbm4b:s28+s26] =	stream.linear.scatter @!p1 [tilespmem:s24], [sflag:$0x1], $0x80, $0x38;
	[tilespmem:$0x9000] =	vst v63  }
0x2b4: {  	s24 =	sadd.s32 @!p1 $0x3400, s23;
	s28 =	sadd.s32 @!p1 $0x480, s25  }
0x2b5: {  	[hbm4b:s28+s26] =	stream.linear.scatter @!p1 [tilespmem:s24], [sflag:$0x1], $0x80, $0x38;
	[tilespmem:$0x9000] =	vst v63  }
0x2b6: {  	s24 =	sadd.s32 @!p1 $0x3800, s23;
	s28 =	sadd.s32 @!p1 $0x500, s25  }
0x2b7: {  	[hbm4b:s28+s26] =	stream.linear.scatter @!p1 [tilespmem:s24], [sflag:$0x1], $0x80, $0x38;
	[tilespmem:$0x9000] =	vst v63  }
0x2b8: {  	s24 =	sadd.s32 @!p1 $0x3C00, s23;
	s28 =	sadd.s32 @!p1 $0x580, s25  }
0x2b9: {  	[hbm4b:s28+s26] =	stream.linear.scatter @!p1 [tilespmem:s24], [sflag:$0x1], $0x80, $0x38;
	[tilespmem:$0x9000] =	vst v63  }
0x2ba: {  	s24 =	sadd.s32 @!p1 $0x4000, s23;
	s28 =	sadd.s32 @!p1 $0x600, s25  }
0x2bb: {  	[hbm4b:s28+s26] =	stream.linear.scatter @!p1 [tilespmem:s24], [sflag:$0x1], $0x80, $0x38;
	[tilespmem:$0x9000] =	vst v63  }
0x2bc: {  	s24 =	sadd.s32 @!p1 $0x4400, s23;
	s28 =	sadd.s32 @!p1 $0x680, s25  }
0x2bd: {  	[hbm4b:s28+s26] =	stream.linear.scatter @!p1 [tilespmem:s24], [sflag:$0x1], $0x80, $0x38;
	[tilespmem:$0x9000] =	vst v63  }
0x2be: {  	s24 =	sadd.s32 @!p1 $0x4800, s23;
	s28 =	sadd.s32 @!p1 $0x700, s25  }
0x2bf: {  	[hbm4b:s28+s26] =	stream.linear.scatter @!p1 [tilespmem:s24], [sflag:$0x1], $0x80, $0x38;
	[tilespmem:$0x9000] =	vst v63  }
0x2c0: {  	s23 =	sadd.s32 @!p1 $0x4C00, s23;
	s24 =	sadd.s32 @!p1 $0x780, s25  }
0x2c1: {  	[hbm4b:s24+s26] =	stream.linear.scatter @!p1 [tilespmem:s23], [sflag:$0x1], $0x80, $0x38;
	[tilespmem:$0x9000] =	vst v63  }
0x2c2: {  	s28 =	spop (v2sf);
	s26 =	sadd.s32 $0xE, s21  }
0x2c3: {  	p1 =	slt.s32 s28, $0xA;
	s23 =	smov.u32 s26  }
0x2c4: {  	s23 =	smov.u32 @p1 s22  }
0x2c5: {  	s22 =	sshll.u32 s23, $0xB;
	s29 =	sshll.u32 s23, $0x7  }
0x2c6: {  	s31 =	rddreg [dreg:$0x12];
	s22 =	ssub.s32 s19, s22;
	s25 =	ssub.s32 s18, s29  }
0x2c7: {  	s24 =	ssub.s32 s26, s23;
	s22 =	sadd.s32 $0x7000, s22;
	s30 =	sadd.s32 $0x700, s25  }
0x2c8: {  	p1 =	sgt.s32 s24, $0xF;
	s22 =	sand.u32 $0xFFFFC000, s22;
	s24 =	sand.u32 $0x380, s30  }
0x2c9: {  	s25 =	sadd.s32 s20, s31;
	s28 =	sshll.u32 @p1 s1, $0x6;
	s26 =	sor.u32 @p1 s24, s22  }
0x2ca: {  	s29 =	simm.s32 @p1 $0x1;
	s28 =	sor.u32 @p1 $0x1C01, s28;
	s26 =	sshrl.u32 @p1 s26, $0x3  }
0x2cb: {  	s30 =	simm.s32 @p1 $0x80;
	s22 =	sadd.s32 @!p1 s24, s22;
	s26 =	sadd.s32 @p1 s2, s26  }
0x2cc: {  	[hbm:s25@s30], [sflag:s28] =	dma.strided @p1 [hbm:s26@s30], $0x100, s29, $0x10   }
0x2cd: {  	s24 =	sadd.s32 @!p1 $0x1000, s22;
	s26 =	simm.s32 @!p1 $0x0  }
0x2ce: {  	[hbm4b:s25+s26] =	stream.linear.scatter @!p1 [tilespmem:s24], [sflag:$0x1], $0x80, $0x38;
	[tilespmem:$0x9000] =	vst v63  }
0x2cf: {  	s28 =	sadd.s32 @!p1 $0x80, s25;
	s24 =	sadd.s32 @!p1 $0x1400, s22  }
0x2d0: {  	[hbm4b:s28+s26] =	stream.linear.scatter @!p1 [tilespmem:s24], [sflag:$0x1], $0x80, $0x38;
	[tilespmem:$0x9000] =	vst v63  }
0x2d1: {  	s24 =	sadd.s32 @!p1 $0x1800, s22;
	s28 =	sadd.s32 @!p1 $0x100, s25  }
0x2d2: {  	[hbm4b:s28+s26] =	stream.linear.scatter @!p1 [tilespmem:s24], [sflag:$0x1], $0x80, $0x38;
	[tilespmem:$0x9000] =	vst v63  }
0x2d3: {  	s24 =	sadd.s32 @!p1 $0x1C00, s22;
	s28 =	sadd.s32 @!p1 $0x180, s25  }
0x2d4: {  	[hbm4b:s28+s26] =	stream.linear.scatter @!p1 [tilespmem:s24], [sflag:$0x1], $0x80, $0x38;
	[tilespmem:$0x9000] =	vst v63  }
0x2d5: {  	s24 =	sadd.s32 @!p1 $0x2000, s22;
	s28 =	sadd.s32 @!p1 $0x200, s25  }
0x2d6: {  	[hbm4b:s28+s26] =	stream.linear.scatter @!p1 [tilespmem:s24], [sflag:$0x1], $0x80, $0x38;
	[tilespmem:$0x9000] =	vst v63  }
0x2d7: {  	s24 =	sadd.s32 @!p1 $0x2400, s22;
	s28 =	sadd.s32 @!p1 $0x280, s25  }
0x2d8: {  	[hbm4b:s28+s26] =	stream.linear.scatter @!p1 [tilespmem:s24], [sflag:$0x1], $0x80, $0x38;
	[tilespmem:$0x9000] =	vst v63  }
0x2d9: {  	s24 =	sadd.s32 @!p1 $0x2800, s22;
	s28 =	sadd.s32 @!p1 $0x300, s25  }
0x2da: {  	[hbm4b:s28+s26] =	stream.linear.scatter @!p1 [tilespmem:s24], [sflag:$0x1], $0x80, $0x38;
	[tilespmem:$0x9000] =	vst v63  }
0x2db: {  	s24 =	sadd.s32 @!p1 $0x2C00, s22;
	s28 =	sadd.s32 @!p1 $0x380, s25  }
0x2dc: {  	[hbm4b:s28+s26] =	stream.linear.scatter @!p1 [tilespmem:s24], [sflag:$0x1], $0x80, $0x38;
	[tilespmem:$0x9000] =	vst v63  }
0x2dd: {  	s24 =	sadd.s32 @!p1 $0x3000, s22;
	s28 =	sadd.s32 @!p1 $0x400, s25  }
0x2de: {  	(v2sf) =	vpush v1, $0xF;
	[hbm4b:s28+s26] =	stream.linear.scatter @!p1 [tilespmem:s24], [sflag:$0x1], $0x80, $0x38;
	[tilespmem:$0x9000] =	vst v63  }
0x2df: {  	s24 =	sadd.s32 @!p1 $0x3400, s22;
	s28 =	sadd.s32 @!p1 $0x480, s25  }
0x2e0: {  	[hbm4b:s28+s26] =	stream.linear.scatter @!p1 [tilespmem:s24], [sflag:$0x1], $0x80, $0x38;
	[tilespmem:$0x9000] =	vst v63  }
0x2e1: {  	s24 =	sadd.s32 @!p1 $0x3800, s22;
	s28 =	sadd.s32 @!p1 $0x500, s25  }
0x2e2: {  	[hbm4b:s28+s26] =	stream.linear.scatter @!p1 [tilespmem:s24], [sflag:$0x1], $0x80, $0x38;
	[tilespmem:$0x9000] =	vst v63  }
0x2e3: {  	s24 =	sadd.s32 @!p1 $0x3C00, s22;
	s28 =	sadd.s32 @!p1 $0x580, s25  }
0x2e4: {  	[hbm4b:s28+s26] =	stream.linear.scatter @!p1 [tilespmem:s24], [sflag:$0x1], $0x80, $0x38;
	[tilespmem:$0x9000] =	vst v63  }
0x2e5: {  	s24 =	sadd.s32 @!p1 $0x4000, s22;
	s28 =	sadd.s32 @!p1 $0x600, s25  }
0x2e6: {  	[hbm4b:s28+s26] =	stream.linear.scatter @!p1 [tilespmem:s24], [sflag:$0x1], $0x80, $0x38;
	[tilespmem:$0x9000] =	vst v63  }
0x2e7: {  	s24 =	sadd.s32 @!p1 $0x4400, s22;
	s28 =	sadd.s32 @!p1 $0x680, s25  }
0x2e8: {  	[hbm4b:s28+s26] =	stream.linear.scatter @!p1 [tilespmem:s24], [sflag:$0x1], $0x80, $0x38;
	[tilespmem:$0x9000] =	vst v63  }
0x2e9: {  	s24 =	sadd.s32 @!p1 $0x4800, s22;
	s28 =	sadd.s32 @!p1 $0x700, s25  }
0x2ea: {  	[hbm4b:s28+s26] =	stream.linear.scatter @!p1 [tilespmem:s24], [sflag:$0x1], $0x80, $0x38;
	[tilespmem:$0x9000] =	vst v63  }
0x2eb: {  	s22 =	sadd.s32 @!p1 $0x4C00, s22;
	s24 =	sadd.s32 @!p1 $0x780, s25  }
0x2ec: {  	[hbm4b:s24+s26] =	stream.linear.scatter @!p1 [tilespmem:s22], [sflag:$0x1], $0x80, $0x38;
	[tilespmem:$0x9000] =	vst v63  }
0x2ed: {  	s21 =	sadd.s32 $0xF, s21;
	s26 =	spop (v2sf)  }
0x2ee: {  	s22 =	smov.u32 s21;
	p1 =	slt.s32 s26, $0xA  }
0x2ef: {  	s22 =	smov.u32 @p1 s23  }
0x2f0: {  	s23 =	sshll.u32 s22, $0xB;
	s28 =	sshll.u32 s22, $0x7  }
0x2f1: {  	s31 =	rddreg [dreg:$0x13];
	s23 =	ssub.s32 s19, s23;
	s24 =	ssub.s32 s18, s28  }
0x2f2: {  	s21 =	ssub.s32 s21, s22;
	s29 =	sadd.s32 $0x7800, s23;
	s30 =	sadd.s32 $0x780, s24  }
0x2f3: {  	p1 =	sgt.s32 s21, $0xF;
	s21 =	sand.u32 $0xFFFFC000, s29;
	s23 =	sand.u32 $0x380, s30  }
0x2f4: {  	s24 =	sadd.s32 s20, s31;
	s26 =	sshll.u32 @p1 s1, $0x6;
	s25 =	sor.u32 @p1 s23, s21  }
0x2f5: {  	s28 =	simm.s32 @p1 $0x1;
	s26 =	sor.u32 @p1 $0x1C01, s26;
	s25 =	sshrl.u32 @p1 s25, $0x3  }
0x2f6: {  	s29 =	simm.s32 @p1 $0x80;
	s21 =	sadd.s32 @!p1 s23, s21;
	s25 =	sadd.s32 @p1 s2, s25  }
0x2f7: {  	[hbm:s24@s29], [sflag:s26] =	dma.strided @p1 [hbm:s25@s29], $0x100, s28, $0x10   }
0x2f8: {  	s23 =	sadd.s32 @!p1 $0x1000, s21;
	s25 =	simm.s32 @!p1 $0x0  }
0x2f9: {  	[hbm4b:s24+s25] =	stream.linear.scatter @!p1 [tilespmem:s23], [sflag:$0x1], $0x80, $0x38;
	[tilespmem:$0x9000] =	vst v63  }
0x2fa: {  	s26 =	sadd.s32 @!p1 $0x80, s24;
	s23 =	sadd.s32 @!p1 $0x1400, s21  }
0x2fb: {  	[hbm4b:s26+s25] =	stream.linear.scatter @!p1 [tilespmem:s23], [sflag:$0x1], $0x80, $0x38;
	[tilespmem:$0x9000] =	vst v63  }
0x2fc: {  	s23 =	sadd.s32 @!p1 $0x1800, s21;
	s26 =	sadd.s32 @!p1 $0x100, s24  }
0x2fd: {  	[hbm4b:s26+s25] =	stream.linear.scatter @!p1 [tilespmem:s23], [sflag:$0x1], $0x80, $0x38;
	[tilespmem:$0x9000] =	vst v63  }
0x2fe: {  	s23 =	sadd.s32 @!p1 $0x1C00, s21;
	s26 =	sadd.s32 @!p1 $0x180, s24  }
0x2ff: {  	[hbm4b:s26+s25] =	stream.linear.scatter @!p1 [tilespmem:s23], [sflag:$0x1], $0x80, $0x38;
	[tilespmem:$0x9000] =	vst v63  }
0x300: {  	s23 =	sadd.s32 @!p1 $0x2000, s21;
	s26 =	sadd.s32 @!p1 $0x200, s24  }
0x301: {  	[hbm4b:s26+s25] =	stream.linear.scatter @!p1 [tilespmem:s23], [sflag:$0x1], $0x80, $0x38;
	[tilespmem:$0x9000] =	vst v63  }
0x302: {  	s23 =	sadd.s32 @!p1 $0x2400, s21;
	s26 =	sadd.s32 @!p1 $0x280, s24  }
0x303: {  	[hbm4b:s26+s25] =	stream.linear.scatter @!p1 [tilespmem:s23], [sflag:$0x1], $0x80, $0x38;
	[tilespmem:$0x9000] =	vst v63  }
0x304: {  	s23 =	sadd.s32 @!p1 $0x2800, s21;
	s26 =	sadd.s32 @!p1 $0x300, s24  }
0x305: {  	[hbm4b:s26+s25] =	stream.linear.scatter @!p1 [tilespmem:s23], [sflag:$0x1], $0x80, $0x38;
	[tilespmem:$0x9000] =	vst v63  }
0x306: {  	s23 =	sadd.s32 @!p1 $0x2C00, s21;
	s26 =	sadd.s32 @!p1 $0x380, s24  }
0x307: {  	[hbm4b:s26+s25] =	stream.linear.scatter @!p1 [tilespmem:s23], [sflag:$0x1], $0x80, $0x38;
	[tilespmem:$0x9000] =	vst v63  }
0x308: {  	s23 =	sadd.s32 @!p1 $0x3000, s21;
	s26 =	sadd.s32 @!p1 $0x400, s24  }
0x309: {  	[hbm4b:s26+s25] =	stream.linear.scatter @!p1 [tilespmem:s23], [sflag:$0x1], $0x80, $0x38;
	[tilespmem:$0x9000] =	vst v63  }
0x30a: {  	s23 =	sadd.s32 @!p1 $0x3400, s21;
	s26 =	sadd.s32 @!p1 $0x480, s24  }
0x30b: {  	[hbm4b:s26+s25] =	stream.linear.scatter @!p1 [tilespmem:s23], [sflag:$0x1], $0x80, $0x38;
	[tilespmem:$0x9000] =	vst v63  }
0x30c: {  	s23 =	sadd.s32 @!p1 $0x3800, s21;
	s26 =	sadd.s32 @!p1 $0x500, s24  }
0x30d: {  	[hbm4b:s26+s25] =	stream.linear.scatter @!p1 [tilespmem:s23], [sflag:$0x1], $0x80, $0x38;
	[tilespmem:$0x9000] =	vst v63  }
0x30e: {  	s23 =	sadd.s32 @!p1 $0x3C00, s21;
	s26 =	sadd.s32 @!p1 $0x580, s24  }
0x30f: {  	[hbm4b:s26+s25] =	stream.linear.scatter @!p1 [tilespmem:s23], [sflag:$0x1], $0x80, $0x38;
	[tilespmem:$0x9000] =	vst v63  }
0x310: {  	s23 =	sadd.s32 @!p1 $0x4000, s21;
	s26 =	sadd.s32 @!p1 $0x600, s24  }
0x311: {  	[hbm4b:s26+s25] =	stream.linear.scatter @!p1 [tilespmem:s23], [sflag:$0x1], $0x80, $0x38;
	[tilespmem:$0x9000] =	vst v63  }
0x312: {  	s23 =	sadd.s32 @!p1 $0x4400, s21;
	s26 =	sadd.s32 @!p1 $0x680, s24  }
0x313: {  	[hbm4b:s26+s25] =	stream.linear.scatter @!p1 [tilespmem:s23], [sflag:$0x1], $0x80, $0x38;
	[tilespmem:$0x9000] =	vst v63  }
0x314: {  	s23 =	sadd.s32 @!p1 $0x4800, s21;
	s26 =	sadd.s32 @!p1 $0x700, s24  }
0x315: {  	[hbm4b:s26+s25] =	stream.linear.scatter @!p1 [tilespmem:s23], [sflag:$0x1], $0x80, $0x38;
	[tilespmem:$0x9000] =	vst v63  }
0x316: {  	s17 =	sadd.s32 $0x10, s17;
	s21 =	sadd.s32 @!p1 $0x4C00, s21;
	s23 =	sadd.s32 @!p1 $0x780, s24  }
0x317: {  	[hbm4b:s23+s25] =	stream.linear.scatter @!p1 [tilespmem:s21], [sflag:$0x1], $0x80, $0x38;
	[tilespmem:$0x9000] =	vst v63  }
0x318: {  	p1 =	sne.s32 s17, $0x200  }
.Ltmp7:
0x319: {  	_ = 	snop;
	(pc) =	sbr.rel @p1 .LBB2_16-.Ltmp7, $2  }
0x31a: {  	_ =	sdelay $0x2  }
0x31b: {  	s19 =	sadd.s32 $0x8000, s19;
	s18 =	sadd.s32 $0x800, s18;
	s20 =	sadd.s32 $0x1000, s20  }
0x31c: {  	_ =	swait.ge [sflag:s15], $0x8000  }
0x31d: {  	[sflag:s15] =	ssyncset.done $0x0  }
0x31e: {  	[sflag:s15] =	ssyncadd.s32 $0xFFFF8000  }
0x31f: {  	_ =	swait.ge [sflag:s15], $0x8000  }
0x320: {  	[sflag:s15] =	ssyncset.done $0x0  }
0x321: {  	[sflag:s15] =	ssyncadd.s32 $0xFFFF8000  }
0x322: {  	_ =	swait.ge [sflag:s15], $0x8000  }
0x323: {  	[sflag:s15] =	ssyncset.done $0x0  }
0x324: {  	[sflag:s15] =	ssyncadd.s32 $0xFFFF8000  }
0x325: {  	_ =	swait.ge [sflag:s15], $0x8000  }
0x326: {  	[sflag:s15] =	ssyncset.done $0x0  }
0x327: {  	[sflag:s15] =	ssyncadd.s32 $0xFFFF8000  }
0x328: {  	_ =	swait.ge [sflag:s15], $0x8000  }
0x329: {  	[sflag:s15] =	ssyncset.done $0x0  }
0x32a: {  	[sflag:s15] =	ssyncadd.s32 $0xFFFF8000  }
0x32b: {  	_ =	swait.ge [sflag:s15], $0x8000  }
0x32c: {  	[sflag:s15] =	ssyncset.done $0x0  }
0x32d: {  	[sflag:s15] =	ssyncadd.s32 $0xFFFF8000  }
0x32e: {  	_ =	swait.ge [sflag:s15], $0x8000  }
0x32f: {  	[sflag:s15] =	ssyncset.done $0x0  }
0x330: {  	[sflag:s15] =	ssyncadd.s32 $0xFFFF8000  }
0x331: {  	_ =	swait.ge [sflag:s15], $0x8000  }
0x332: {  	[sflag:s15] =	ssyncset.done $0x0  }
0x333: {  	[sflag:s15] =	ssyncadd.s32 $0xFFFF8000  }
0x334: {  	_ =	swait.ge [sflag:s15], $0x8000  }
0x335: {  	[sflag:s15] =	ssyncset.done $0x0  }
0x336: {  	[sflag:s15] =	ssyncadd.s32 $0xFFFF8000  }
0x337: {  	_ =	swait.ge [sflag:s15], $0x8000  }
0x338: {  	[sflag:s15] =	ssyncset.done $0x0  }
0x339: {  	[sflag:s15] =	ssyncadd.s32 $0xFFFF8000  }
0x33a: {  	_ =	swait.ge [sflag:s15], $0x8000  }
0x33b: {  	[sflag:s15] =	ssyncset.done $0x0  }
0x33c: {  	[sflag:s15] =	ssyncadd.s32 $0xFFFF8000  }
0x33d: {  	_ =	swait.ge [sflag:s15], $0x8000  }
0x33e: {  	[sflag:s15] =	ssyncset.done $0x0  }
0x33f: {  	[sflag:s15] =	ssyncadd.s32 $0xFFFF8000  }
0x340: {  	_ =	swait.ge [sflag:s15], $0x8000  }
0x341: {  	[sflag:s15] =	ssyncset.done $0x0  }
0x342: {  	[sflag:s15] =	ssyncadd.s32 $0xFFFF8000  }
0x343: {  	_ =	swait.ge [sflag:s15], $0x8000  }
0x344: {  	[sflag:s15] =	ssyncset.done $0x0  }
0x345: {  	[sflag:s15] =	ssyncadd.s32 $0xFFFF8000  }
0x346: {  	_ =	swait.ge [sflag:s15], $0x8000  }
0x347: {  	[sflag:s15] =	ssyncset.done $0x0  }
0x348: {  	[sflag:s15] =	ssyncadd.s32 $0xFFFF8000  }
0x349: {  	_ =	swait.ge [sflag:s15], $0x8000  }
0x34a: {  	[sflag:s15] =	ssyncset.done $0x0  }
0x34b: {  	[sflag:s15] =	ssyncadd.s32 $0xFFFF8000  }
0x34c: {  	_ =	swait.ge [sflag:s15], $0x8000  }
0x34d: {  	[sflag:s15] =	ssyncset.done $0x0  }
0x34e: {  	[sflag:s15] =	ssyncadd.s32 $0xFFFF8000  }
0x34f: {  	_ =	swait.ge [sflag:s15], $0x8000  }
0x350: {  	[sflag:s15] =	ssyncset.done $0x0  }
0x351: {  	[sflag:s15] =	ssyncadd.s32 $0xFFFF8000  }
0x352: {  	_ =	swait.ge [sflag:s15], $0x8000  }
0x353: {  	[sflag:s15] =	ssyncset.done $0x0  }
0x354: {  	[sflag:s15] =	ssyncadd.s32 $0xFFFF8000  }
0x355: {  	_ =	swait.ge [sflag:s15], $0x8000  }
0x356: {  	[sflag:s15] =	ssyncset.done $0x0  }
0x357: {  	[sflag:s15] =	ssyncadd.s32 $0xFFFF8000  }
0x358: {  	_ =	swait.ge [sflag:s15], $0x8000  }
0x359: {  	[sflag:s15] =	ssyncset.done $0x0  }
0x35a: {  	[sflag:s15] =	ssyncadd.s32 $0xFFFF8000  }
0x35b: {  	_ =	swait.ge [sflag:s15], $0x8000  }
0x35c: {  	[sflag:s15] =	ssyncset.done $0x0  }
0x35d: {  	[sflag:s15] =	ssyncadd.s32 $0xFFFF8000  }
0x35e: {  	_ =	swait.ge [sflag:s15], $0x8000  }
0x35f: {  	[sflag:s15] =	ssyncset.done $0x0  }
0x360: {  	[sflag:s15] =	ssyncadd.s32 $0xFFFF8000  }
0x361: {  	_ =	swait.ge [sflag:s15], $0x8000  }
0x362: {  	[sflag:s15] =	ssyncset.done $0x0  }
0x363: {  	[sflag:s15] =	ssyncadd.s32 $0xFFFF8000  }
0x364: {  	_ =	swait.ge [sflag:s15], $0x8000  }
0x365: {  	[sflag:s15] =	ssyncset.done $0x0  }
0x366: {  	[sflag:s15] =	ssyncadd.s32 $0xFFFF8000  }
0x367: {  	_ =	swait.ge [sflag:s15], $0x8000  }
0x368: {  	[sflag:s15] =	ssyncset.done $0x0  }
0x369: {  	[sflag:s15] =	ssyncadd.s32 $0xFFFF8000  }
0x36a: {  	_ =	swait.ge [sflag:s15], $0x8000  }
0x36b: {  	[sflag:s15] =	ssyncset.done $0x0  }
0x36c: {  	[sflag:s15] =	ssyncadd.s32 $0xFFFF8000  }
0x36d: {  	_ =	swait.ge [sflag:s15], $0x8000  }
0x36e: {  	[sflag:s15] =	ssyncset.done $0x0  }
0x36f: {  	[sflag:s15] =	ssyncadd.s32 $0xFFFF8000  }
0x370: {  	_ =	swait.ge [sflag:s15], $0x8000  }
0x371: {  	[sflag:s15] =	ssyncset.done $0x0  }
0x372: {  	[sflag:s15] =	ssyncadd.s32 $0xFFFF8000  }
0x373: {  	_ =	swait.ge [sflag:s15], $0x8000  }
0x374: {  	[sflag:s15] =	ssyncset.done $0x0  }
0x375: {  	s16 =	sadd.s32 $0x1, s16;
	[sflag:s15] =	ssyncadd.s32 $0xFFFF8000  }
0x376: {  	p1 =	sne.s32 s16, s7;
	_ =	swait.ge [sflag:s15], $0x8000  }
.Ltmp8:
0x377: {  	[sflag:s15] =	ssyncset.done $0x0;
	(pc) =	sbr.rel @p1 .LBB2_1-.Ltmp8, $4  }
.Ltmp9:
0x378: {  	[sflag:s15] =	ssyncadd.s32 $0xFFFF8000;
	(pc) =	sbr.rel @!p1 .LBB2_18-.Ltmp9, $4  }
0x379: {  	_ =	swait.ge [sflag:s15], $0x8000  }
0x37a: {  	[sflag:s15] =	ssyncset.done $0x0  }
0x37b: {  	[sflag:s15] =	ssyncadd.s32 $0xFFFF8000  }
0x37c: {  	_ = 	snop  }
.LBB2_3:
.Ltmp10:
0x37d: {  	(pc) =	sbr.rel .LBB2_14-.Ltmp10, $2  }
0x37e: {  	_ =	sdelay $0x2  }
0x37f: {  	s17 =	simm.s32 $0xFFFFFFFF  }
.LBB2_5:
.Ltmp11:
0x380: {  	(pc) =	sbr.rel .LBB2_14-.Ltmp11, $2  }
0x381: {  	_ =	sdelay $0x2  }
0x382: {  	s17 =	simm.s32 $0xFFFFFFFF  }
.LBB2_7:
.Ltmp12:
0x383: {  	(pc) =	sbr.rel .LBB2_14-.Ltmp12, $2  }
0x384: {  	_ =	sdelay $0x2  }
0x385: {  	s17 =	simm.s32 $0xFFFFFFFF  }
.LBB2_9:
.Ltmp13:
0x386: {  	(pc) =	sbr.rel .LBB2_14-.Ltmp13, $2  }
0x387: {  	_ =	sdelay $0x2  }
0x388: {  	s17 =	simm.s32 $0xFFFFFFFF  }
.LBB2_11:
.Ltmp14:
0x389: {  	(pc) =	sbr.rel .LBB2_14-.Ltmp14, $2  }
0x38a: {  	_ =	sdelay $0x2  }
0x38b: {  	s17 =	simm.s32 $0xFFFFFFFF  }
.LBB2_18:
0x38c: {  	_ =	sfence.sel $0x180000  }
0x38d: {  	[bflag:$0x0] =	sbarrier.arrive $0xFFFF  }
0x38e: {  	p0 =	sne.s32 s1, $0x0;
	_ =	strace $0x90000047  }
0x38f: {  	s0 =	sadd.s32 @!p0 $0x100000, s0;
	[bflag:$0x2] =	sbarrier.arrive $0xFFFF  }
0x390: {  	[sflag:s0] =	ssyncadd.tile.s32 @!p0 $0x1;
	_ =	shalt  }
.Lfunc_end2:
_tile_overlayer_lowered:
.L_overlay_start_2:
0x391: {  	(tag) =	ssettag $0x2  }
0x392: {  	s0 =	rddreg [dreg:$0x0];
	s2 =	stileid.u32  }
0x393: {  	s1 =	rddreg [dreg:$0x1];
	p0 =	sne.s32 s2, $0x0  }
0x394: {  	s3 =	rddreg [dreg:$0x2];
	[bflag:$0x3] =	sbarrier.arrive $0xFFFF;
	s2 =	simm.s32 @!p0 $0x1C02  }
0x395: {  	[timem:s3], [sflag:s2] =	dma.local @!p0 [hbm:s0], s1  }
0x396: {  	s0 =	simm.s32 @!p0 $0x2  }
0x397: {  	_ =	swait.ge @!p0 [sflag:s0], s1  }
0x398: {  	s1 =	ssub.s32 @!p0 $0x0, s1;
	[sflag:s0] =	ssyncset.done @!p0 $0x0  }
0x399: {  	[sflag:s0] =	ssyncadd.s32 @!p0 s1  }
0x39a: {  	[bflag:$0x3] =	sbarrier.arrive $0xFFFF  }
0x39b: {  	_ =	shalt  }

</sc_bundles>
